<compile_context>
chip_gen: v7x
topology: tpu7x:2x2x1
jax: 0.10.2.dev20260603
libtpu: 0.0.44.dev20260713+nightly
codegen_flags: <defaults>
</compile_context>

<pallas_src>
import functools

import jax
import jax.numpy as jnp
from jax import lax
from jax.experimental import pallas as pl
from jax.experimental.pallas import tpu as pltpu
from jax.experimental.pallas import tpu_sc as plsc

_D = 128
_N = 100000
_NC, _NS = 2, 16
_NW = _NC * _NS
_C = 320
_CFULL = 9
_CLAST = 256
_CHUNKS = _CFULL + 1
_NBUF = 3
_ROWS_W = _C * _CFULL + _CLAST
_LAST_BASE = _N - _ROWS_W

_mesh = plsc.VectorSubcoreMesh(core_axis_name="c", subcore_axis_name="s")


@functools.partial(
    pl.kernel,
    out_type=jax.ShapeDtypeStruct((_N, _D), jnp.float32),
    mesh=_mesh,
    scratch_types=[
        pltpu.VMEM_SHARED((16, _D), jnp.float32),
        [pltpu.VMEM((_C,), jnp.int32)] * _NBUF,
        [pltpu.VMEM((_C, _D), jnp.float32)] * _NBUF,
        pltpu.VMEM((_CLAST,), jnp.int32),
        [pltpu.SemaphoreType.DMA] * _NBUF,
        [pltpu.SemaphoreType.DMA] * _NBUF,
    ],
)
def _embed_gather(types_hbm, table_hbm, out_hbm,
                  table_v, idx, rows, idx_last, sems, wsems):
    w = lax.axis_index("s") * _NC + lax.axis_index("c")
    base = ((w * _LAST_BASE) // (_NW - 1)) // 8 * 8

    handles = [None] * _NBUF
    whandles = [None] * _NBUF

    @pl.when(lax.axis_index("s") == 0)
    def _():
        pltpu.sync_copy(table_hbm, table_v)

    plsc.subcore_barrier()

    def _stage(g, buf):
        if g < _CFULL:
            ib, n = idx[buf], _C
        else:
            ib, n = idx_last, _CLAST
        pltpu.sync_copy(types_hbm.at[pl.ds(base + g * _C, n)], ib)
        if whandles[buf] is not None:
            whandles[buf].wait()
        handles[buf] = pltpu.make_async_copy(
            table_v.at[ib], rows[buf].at[pl.ds(0, n)], sems[buf])
        handles[buf].start()

    for g in range(_NBUF - 1):
        _stage(g, g)

    for g in range(_CHUNKS):
        b = g % _NBUF
        if g + _NBUF - 1 < _CHUNKS:
            _stage(g + _NBUF - 1, (g + _NBUF - 1) % _NBUF)
        n = _C if g < _CFULL else _CLAST
        handles[b].wait()
        whandles[b] = pltpu.make_async_copy(
            rows[b].at[pl.ds(0, n)],
            out_hbm.at[pl.ds(base + g * _C, n)], wsems[b])
        whandles[b].start()

    for b in range(_NBUF):
        whandles[b].wait()


def kernel(atom_types, embed_table):
    flat_types = atom_types.reshape(-1).astype(jnp.int32)
    out = _embed_gather(flat_types, embed_table)
    return (out, out)

# --- scband reference (transcript-rebuilt; emitter-appended) ---
"""Pipeline reference for scband-node-type-embed-36206574305834 (READ-ONLY COPY).

The authoritative reference and input builder live on the scoring server;
editing this copy changes nothing except your own understanding.
"""

import jax, jax.numpy as jnp
import numpy as np

NUM_TYPES = 16
NUM_FEATURES = 128
N_NODES = 100000


def setup_inputs(seed: int = 0) -> dict:
    key = jax.random.key(seed)
    k1, k2 = jax.random.split(key)
    atom_types = jax.random.randint(k1, (N_NODES,), 0, NUM_TYPES, dtype=jnp.int32).astype(jnp.int64)
    # learned parameter: embedding table of the torch.nn.Embedding module
    embed_table = jax.random.normal(k2, (NUM_TYPES, NUM_FEATURES), dtype=jnp.float32)
    return {"atom_types": atom_types, "embed_table": embed_table}


def reference(atom_types, embed_table):
    # NodeTypeEmbed.forward with categorical_graph_field_embed=None:
    # atom_types = data[ATOM_TYPE_KEY].view(-1)
    flat_types = atom_types.reshape(-1)
    # embedding = self.embed_module(atom_types)
    embedding = jnp.take(embed_table, flat_types, axis=0)
    # data[NODE_ATTRS_KEY] = embedding; set_features=True -> NODE_FEATURES_KEY = same tensor
    node_attrs = embedding
    node_features = embedding
    return (node_attrs, node_features)

if __name__ == "__main__":
    import jax
    _d = setup_inputs()
    print(jax.jit(kernel)(*tuple(_d.values())))

</pallas_src>

<mosaic_0001>
#map = affine_map<(d0, d1) -> (0)>
#map1 = affine_map<(d0, d1) -> (0, 0)>
module attributes {stable_mosaic.version = 14 : i64} {
  func.func @_embed_gather(%arg0: i32, %arg1: i32, %arg2: memref<100000xi32, #tpu.memory_space<hbm>>, %arg3: memref<16x128xf32, #tpu.memory_space<hbm>>, %arg4: memref<100000x128xf32, #tpu.memory_space<hbm>>, %arg5: memref<16x128xf32, #tpu.memory_space<vmem_shared>>, %arg6: memref<320xi32, #tpu.memory_space<vmem>>, %arg7: memref<320xi32, #tpu.memory_space<vmem>>, %arg8: memref<320xi32, #tpu.memory_space<vmem>>, %arg9: memref<320x128xf32, #tpu.memory_space<vmem>>, %arg10: memref<320x128xf32, #tpu.memory_space<vmem>>, %arg11: memref<320x128xf32, #tpu.memory_space<vmem>>, %arg12: memref<256xi32, #tpu.memory_space<vmem>>, %arg13: memref<!tpu.dma_semaphore, #tpu.memory_space<semaphore_mem>>, %arg14: memref<!tpu.dma_semaphore, #tpu.memory_space<semaphore_mem>>, %arg15: memref<!tpu.dma_semaphore, #tpu.memory_space<semaphore_mem>>, %arg16: memref<!tpu.dma_semaphore, #tpu.memory_space<semaphore_mem>>, %arg17: memref<!tpu.dma_semaphore, #tpu.memory_space<semaphore_mem>>, %arg18: memref<!tpu.dma_semaphore, #tpu.memory_space<semaphore_mem>>) attributes {dimension_semantics = [#tpu.dimension_semantics<core_parallel>, #tpu.dimension_semantics<subcore_parallel>], iteration_bounds = array<i64: 2, 16>, scalar_prefetch = 0 : i64, scratch_operands = 14 : i64, tpu.core_type = #tpu.core_type<sc_vector_subcore>, window_params = [{transform_indices = #map}, {transform_indices = #map1}, {transform_indices = #map1}]} {
    %mul3A = arith.constant 2 : i32
    %mul3A_0 = arith.muli %arg1, %mul3A : i32
    %add3A = arith.addi %mul3A_0, %arg0 : i32
    %mul3A_1 = arith.constant 96864 : i32
    %mul3A_2 = arith.muli %add3A, %mul3A_1 : i32
    %jit3A = arith.constant 31 : i32
    %div3A = arith.divsi %mul3A_2, %jit3A : i32
    %sign3A = arith.constant 0 : i32
    %sign3A_3 = arith.cmpi sgt, %mul3A_2, %sign3A : i32
    %sign3A_4 = arith.extui %sign3A_3 : i1 to i32
    %sign3A_5 = arith.constant 0 : i32
    %sign3A_6 = arith.cmpi slt, %mul3A_2, %sign3A_5 : i32
    %sign3A_7 = arith.extui %sign3A_6 : i1 to i32
    %sign3A_8 = arith.subi %sign3A_4, %sign3A_7 : i32
    %sign3A_9 = arith.constant 0 : i32
    %sign3A_10 = arith.cmpi sgt, %jit3A, %sign3A_9 : i32
    %sign3A_11 = arith.extui %sign3A_10 : i1 to i32
    %sign3A_12 = arith.constant 0 : i32
    %sign3A_13 = arith.cmpi slt, %jit3A, %sign3A_12 : i32
    %sign3A_14 = arith.extui %sign3A_13 : i1 to i32
    %sign3A_15 = arith.subi %sign3A_11, %sign3A_14 : i32
    %ne3A = arith.cmpi ne, %sign3A_8, %sign3A_15 : i32
    %rem3A = arith.remsi %mul3A_2, %jit3A : i32
    %ne3A_16 = arith.constant 0 : i32
    %ne3A_17 = arith.cmpi ne, %rem3A, %ne3A_16 : i32
    %and3A = arith.andi %ne3A, %ne3A_17 : i1
    %sub3A = arith.constant 1 : i32
    %sub3A_18 = arith.subi %div3A, %sub3A : i32
    %select_n3A = arith.select %and3A, %sub3A_18, %div3A : i32
    %jit3A_19 = arith.constant 8 : i32
    %div3A_20 = arith.divsi %select_n3A, %jit3A_19 : i32
    %sign3A_21 = arith.constant 0 : i32
    %sign3A_22 = arith.cmpi sgt, %select_n3A, %sign3A_21 : i32
    %sign3A_23 = arith.extui %sign3A_22 : i1 to i32
    %sign3A_24 = arith.constant 0 : i32
    %sign3A_25 = arith.cmpi slt, %select_n3A, %sign3A_24 : i32
    %sign3A_26 = arith.extui %sign3A_25 : i1 to i32
    %sign3A_27 = arith.subi %sign3A_23, %sign3A_26 : i32
    %sign3A_28 = arith.constant 0 : i32
    %sign3A_29 = arith.cmpi sgt, %jit3A_19, %sign3A_28 : i32
    %sign3A_30 = arith.extui %sign3A_29 : i1 to i32
    %sign3A_31 = arith.constant 0 : i32
    %sign3A_32 = arith.cmpi slt, %jit3A_19, %sign3A_31 : i32
    %sign3A_33 = arith.extui %sign3A_32 : i1 to i32
    %sign3A_34 = arith.subi %sign3A_30, %sign3A_33 : i32
    %ne3A_35 = arith.cmpi ne, %sign3A_27, %sign3A_34 : i32
    %rem3A_36 = arith.remsi %select_n3A, %jit3A_19 : i32
    %ne3A_37 = arith.constant 0 : i32
    %ne3A_38 = arith.cmpi ne, %rem3A_36, %ne3A_37 : i32
    %and3A_39 = arith.andi %ne3A_35, %ne3A_38 : i1
    %sub3A_40 = arith.constant 1 : i32
    %sub3A_41 = arith.subi %div3A_20, %sub3A_40 : i32
    %select_n3A_42 = arith.select %and3A_39, %sub3A_41, %div3A_20 : i32
    %mul3A_43 = arith.constant 8 : i32
    %mul3A_44 = arith.muli %select_n3A_42, %mul3A_43 : i32
    %eq3A = arith.constant 0 : i32
    %eq3A_45 = arith.cmpi eq, %arg1, %eq3A : i32
    %convert_element_type3A = arith.extui %eq3A_45 : i1 to i32
    %cond3A = arith.constant 0 : i32
    %cond3A_46 = arith.cmpi ne, %convert_element_type3A, %cond3A : i32
    scf.if %cond3A_46 {
      "tpu.region"() ({
        %run_scoped3A = tpu.sem_alloc : memref<!tpu.dma_semaphore, #tpu.memory_space<semaphore_mem>>
        tpu.enqueue_dma source(%arg3 : memref<16x128xf32, #tpu.memory_space<hbm>>) target(%arg5 : memref<16x128xf32, #tpu.memory_space<vmem_shared>>) target_semaphore(%run_scoped3A : memref<!tpu.dma_semaphore, #tpu.memory_space<semaphore_mem>>)
        tpu.wait_dma2 semaphore(%run_scoped3A : memref<!tpu.dma_semaphore, #tpu.memory_space<semaphore_mem>>) src(%arg3 : memref<16x128xf32, #tpu.memory_space<hbm>>) dst(%arg5 : memref<16x128xf32, #tpu.memory_space<vmem_shared>>)
        tpu.yield
      }) : () -> ()
    } else {
    }
    %barrier3A = arith.constant 0 : index
    tpu.barrier barrier_id(%barrier3A)
    %add3A_47 = arith.constant 0 : i32
    %add3A_48 = arith.addi %mul3A_44, %add3A_47 : i32
    "tpu.region"() ({
      %run_scoped3A = tpu.sem_alloc : memref<!tpu.dma_semaphore, #tpu.memory_space<semaphore_mem>>
      %dma_start3A_405 = tpu.memref_slice %arg2[%add3A_48] : memref<100000xi32, #tpu.memory_space<hbm>> -> memref<320xi32, #tpu.memory_space<hbm>>
      %dma_start3A_406 = tpu.memref_slice %arg2[%add3A_48] : memref<100000xi32, #tpu.memory_space<hbm>> -> memref<320xi32, #tpu.memory_space<hbm>>
      tpu.enqueue_dma source(%dma_start3A_406 : memref<320xi32, #tpu.memory_space<hbm>>) target(%arg6 : memref<320xi32, #tpu.memory_space<vmem>>) target_semaphore(%run_scoped3A : memref<!tpu.dma_semaphore, #tpu.memory_space<semaphore_mem>>)
      %dma_wait3A_407 = tpu.memref_slice %arg2[%add3A_48] : memref<100000xi32, #tpu.memory_space<hbm>> -> memref<320xi32, #tpu.memory_space<hbm>>
      %dma_wait3A_408 = tpu.memref_slice %arg2[%add3A_48] : memref<100000xi32, #tpu.memory_space<hbm>> -> memref<320xi32, #tpu.memory_space<hbm>>
      tpu.wait_dma2 semaphore(%run_scoped3A : memref<!tpu.dma_semaphore, #tpu.memory_space<semaphore_mem>>) src(%dma_wait3A_408 : memref<320xi32, #tpu.memory_space<hbm>>) dst(%arg6 : memref<320xi32, #tpu.memory_space<vmem>>)
      tpu.yield
    }) : () -> ()
    %dma_start3A = arith.constant 0 : i32
    %dma_start3A_49 = arith.constant 0 : i32
    %dma_start3A_50 = tpu.memref_slice %arg9[%dma_start3A, %dma_start3A_49] : memref<320x128xf32, #tpu.memory_space<vmem>> -> memref<320x128xf32, #tpu.memory_space<vmem>>
    %dma_start3A_51 = arith.constant 0 : i32
    %dma_start3A_52 = arith.constant 0 : i32
    %dma_start3A_53 = tpu.memref_slice %arg5[%dma_start3A_51, %dma_start3A_52] : memref<16x128xf32, #tpu.memory_space<vmem_shared>> -> memref<16x128xf32, #tpu.memory_space<vmem_shared>>
    tpu.enqueue_indirect_dma source(%dma_start3A_53 : memref<16x128xf32, #tpu.memory_space<vmem_shared>>) target(%dma_start3A_50 : memref<320x128xf32, #tpu.memory_space<vmem>>) offsets(%arg6 : memref<320xi32, #tpu.memory_space<vmem>>) semaphore(%arg13 : memref<!tpu.dma_semaphore, #tpu.memory_space<semaphore_mem>>)
    %add3A_54 = arith.constant 320 : i32
    %add3A_55 = arith.addi %mul3A_44, %add3A_54 : i32
    "tpu.region"() ({
      %run_scoped3A = tpu.sem_alloc : memref<!tpu.dma_semaphore, #tpu.memory_space<semaphore_mem>>
      %dma_start3A_405 = tpu.memref_slice %arg2[%add3A_55] : memref<100000xi32, #tpu.memory_space<hbm>> -> memref<320xi32, #tpu.memory_space<hbm>>
      %dma_start3A_406 = tpu.memref_slice %arg2[%add3A_55] : memref<100000xi32, #tpu.memory_space<hbm>> -> memref<320xi32, #tpu.memory_space<hbm>>
      tpu.enqueue_dma source(%dma_start3A_406 : memref<320xi32, #tpu.memory_space<hbm>>) target(%arg7 : memref<320xi32, #tpu.memory_space<vmem>>) target_semaphore(%run_scoped3A : memref<!tpu.dma_semaphore, #tpu.memory_space<semaphore_mem>>)
      %dma_wait3A_407 = tpu.memref_slice %arg2[%add3A_55] : memref<100000xi32, #tpu.memory_space<hbm>> -> memref<320xi32, #tpu.memory_space<hbm>>
      %dma_wait3A_408 = tpu.memref_slice %arg2[%add3A_55] : memref<100000xi32, #tpu.memory_space<hbm>> -> memref<320xi32, #tpu.memory_space<hbm>>
      tpu.wait_dma2 semaphore(%run_scoped3A : memref<!tpu.dma_semaphore, #tpu.memory_space<semaphore_mem>>) src(%dma_wait3A_408 : memref<320xi32, #tpu.memory_space<hbm>>) dst(%arg7 : memref<320xi32, #tpu.memory_space<vmem>>)
      tpu.yield
    }) : () -> ()
    %dma_start3A_56 = arith.constant 0 : i32
    %dma_start3A_57 = arith.constant 0 : i32
    %dma_start3A_58 = tpu.memref_slice %arg10[%dma_start3A_56, %dma_start3A_57] : memref<320x128xf32, #tpu.memory_space<vmem>> -> memref<320x128xf32, #tpu.memory_space<vmem>>
    %dma_start3A_59 = arith.constant 0 : i32
    %dma_start3A_60 = arith.constant 0 : i32
    %dma_start3A_61 = tpu.memref_slice %arg5[%dma_start3A_59, %dma_start3A_60] : memref<16x128xf32, #tpu.memory_space<vmem_shared>> -> memref<16x128xf32, #tpu.memory_space<vmem_shared>>
    tpu.enqueue_indirect_dma source(%dma_start3A_61 : memref<16x128xf32, #tpu.memory_space<vmem_shared>>) target(%dma_start3A_58 : memref<320x128xf32, #tpu.memory_space<vmem>>) offsets(%arg7 : memref<320xi32, #tpu.memory_space<vmem>>) semaphore(%arg14 : memref<!tpu.dma_semaphore, #tpu.memory_space<semaphore_mem>>)
    %add3A_62 = arith.constant 640 : i32
    %add3A_63 = arith.addi %mul3A_44, %add3A_62 : i32
    "tpu.region"() ({
      %run_scoped3A = tpu.sem_alloc : memref<!tpu.dma_semaphore, #tpu.memory_space<semaphore_mem>>
      %dma_start3A_405 = tpu.memref_slice %arg2[%add3A_63] : memref<100000xi32, #tpu.memory_space<hbm>> -> memref<320xi32, #tpu.memory_space<hbm>>
      %dma_start3A_406 = tpu.memref_slice %arg2[%add3A_63] : memref<100000xi32, #tpu.memory_space<hbm>> -> memref<320xi32, #tpu.memory_space<hbm>>
      tpu.enqueue_dma source(%dma_start3A_406 : memref<320xi32, #tpu.memory_space<hbm>>) target(%arg8 : memref<320xi32, #tpu.memory_space<vmem>>) target_semaphore(%run_scoped3A : memref<!tpu.dma_semaphore, #tpu.memory_space<semaphore_mem>>)
      %dma_wait3A_407 = tpu.memref_slice %arg2[%add3A_63] : memref<100000xi32, #tpu.memory_space<hbm>> -> memref<320xi32, #tpu.memory_space<hbm>>
      %dma_wait3A_408 = tpu.memref_slice %arg2[%add3A_63] : memref<100000xi32, #tpu.memory_space<hbm>> -> memref<320xi32, #tpu.memory_space<hbm>>
      tpu.wait_dma2 semaphore(%run_scoped3A : memref<!tpu.dma_semaphore, #tpu.memory_space<semaphore_mem>>) src(%dma_wait3A_408 : memref<320xi32, #tpu.memory_space<hbm>>) dst(%arg8 : memref<320xi32, #tpu.memory_space<vmem>>)
      tpu.yield
    }) : () -> ()
    %dma_start3A_64 = arith.constant 0 : i32
    %dma_start3A_65 = arith.constant 0 : i32
    %dma_start3A_66 = tpu.memref_slice %arg11[%dma_start3A_64, %dma_start3A_65] : memref<320x128xf32, #tpu.memory_space<vmem>> -> memref<320x128xf32, #tpu.memory_space<vmem>>
    %dma_start3A_67 = arith.constant 0 : i32
    %dma_start3A_68 = arith.constant 0 : i32
    %dma_start3A_69 = tpu.memref_slice %arg5[%dma_start3A_67, %dma_start3A_68] : memref<16x128xf32, #tpu.memory_space<vmem_shared>> -> memref<16x128xf32, #tpu.memory_space<vmem_shared>>
    tpu.enqueue_indirect_dma source(%dma_start3A_69 : memref<16x128xf32, #tpu.memory_space<vmem_shared>>) target(%dma_start3A_66 : memref<320x128xf32, #tpu.memory_space<vmem>>) offsets(%arg8 : memref<320xi32, #tpu.memory_space<vmem>>) semaphore(%arg15 : memref<!tpu.dma_semaphore, #tpu.memory_space<semaphore_mem>>)
    %dma_wait3A = arith.constant 0 : i32
    %dma_wait3A_70 = arith.constant 0 : i32
    %dma_wait3A_71 = tpu.memref_slice %arg9[%dma_wait3A, %dma_wait3A_70] : memref<320x128xf32, #tpu.memory_space<vmem>> -> memref<320x128xf32, #tpu.memory_space<vmem>>
    %dma_wait3A_72 = arith.constant 0 : i32
    %dma_wait3A_73 = arith.constant 0 : i32
    %dma_wait3A_74 = tpu.memref_slice %arg5[%dma_wait3A_72, %dma_wait3A_73] : memref<16x128xf32, #tpu.memory_space<vmem_shared>> -> memref<16x128xf32, #tpu.memory_space<vmem_shared>>
    tpu.wait_indirect_dma semaphore(%arg13 : memref<!tpu.dma_semaphore, #tpu.memory_space<semaphore_mem>>) src(%dma_wait3A_74 : memref<16x128xf32, #tpu.memory_space<vmem_shared>>) dst(%dma_wait3A_71 : memref<320x128xf32, #tpu.memory_space<vmem>>)
    %add3A_75 = arith.constant 0 : i32
    %add3A_76 = arith.addi %mul3A_44, %add3A_75 : i32
    %dma_start3A_77 = arith.constant 0 : i32
    %dma_start3A_78 = arith.constant 0 : i32
    %dma_start3A_79 = tpu.memref_slice %arg9[%dma_start3A_77, %dma_start3A_78] : memref<320x128xf32, #tpu.memory_space<vmem>> -> memref<320x128xf32, #tpu.memory_space<vmem>>
    %dma_start3A_80 = arith.constant 0 : i32
    %dma_start3A_81 = tpu.memref_slice %arg4[%add3A_76, %dma_start3A_80] : memref<100000x128xf32, #tpu.memory_space<hbm>> -> memref<320x128xf32, #tpu.memory_space<hbm>>
    %dma_start3A_82 = arith.constant 0 : i32
    %dma_start3A_83 = tpu.memref_slice %arg4[%add3A_76, %dma_start3A_82] : memref<100000x128xf32, #tpu.memory_space<hbm>> -> memref<320x128xf32, #tpu.memory_space<hbm>>
    %dma_start3A_84 = arith.constant 0 : i32
    %dma_start3A_85 = arith.constant 0 : i32
    %dma_start3A_86 = tpu.memref_slice %arg9[%dma_start3A_84, %dma_start3A_85] : memref<320x128xf32, #tpu.memory_space<vmem>> -> memref<320x128xf32, #tpu.memory_space<vmem>>
    tpu.enqueue_dma source(%dma_start3A_86 : memref<320x128xf32, #tpu.memory_space<vmem>>) target(%dma_start3A_83 : memref<320x128xf32, #tpu.memory_space<hbm>>) target_semaphore(%arg16 : memref<!tpu.dma_semaphore, #tpu.memory_space<semaphore_mem>>)
    %add3A_87 = arith.constant 960 : i32
    %add3A_88 = arith.addi %mul3A_44, %add3A_87 : i32
    "tpu.region"() ({
      %run_scoped3A = tpu.sem_alloc : memref<!tpu.dma_semaphore, #tpu.memory_space<semaphore_mem>>
      %dma_start3A_405 = tpu.memref_slice %arg2[%add3A_88] : memref<100000xi32, #tpu.memory_space<hbm>> -> memref<320xi32, #tpu.memory_space<hbm>>
      %dma_start3A_406 = tpu.memref_slice %arg2[%add3A_88] : memref<100000xi32, #tpu.memory_space<hbm>> -> memref<320xi32, #tpu.memory_space<hbm>>
      tpu.enqueue_dma source(%dma_start3A_406 : memref<320xi32, #tpu.memory_space<hbm>>) target(%arg6 : memref<320xi32, #tpu.memory_space<vmem>>) target_semaphore(%run_scoped3A : memref<!tpu.dma_semaphore, #tpu.memory_space<semaphore_mem>>)
      %dma_wait3A_407 = tpu.memref_slice %arg2[%add3A_88] : memref<100000xi32, #tpu.memory_space<hbm>> -> memref<320xi32, #tpu.memory_space<hbm>>
      %dma_wait3A_408 = tpu.memref_slice %arg2[%add3A_88] : memref<100000xi32, #tpu.memory_space<hbm>> -> memref<320xi32, #tpu.memory_space<hbm>>
      tpu.wait_dma2 semaphore(%run_scoped3A : memref<!tpu.dma_semaphore, #tpu.memory_space<semaphore_mem>>) src(%dma_wait3A_408 : memref<320xi32, #tpu.memory_space<hbm>>) dst(%arg6 : memref<320xi32, #tpu.memory_space<vmem>>)
      tpu.yield
    }) : () -> ()
    %dma_wait3A_89 = arith.constant 0 : i32
    %dma_wait3A_90 = arith.constant 0 : i32
    %dma_wait3A_91 = tpu.memref_slice %arg9[%dma_wait3A_89, %dma_wait3A_90] : memref<320x128xf32, #tpu.memory_space<vmem>> -> memref<320x128xf32, #tpu.memory_space<vmem>>
    %dma_wait3A_92 = arith.constant 0 : i32
    %dma_wait3A_93 = tpu.memref_slice %arg4[%add3A_76, %dma_wait3A_92] : memref<100000x128xf32, #tpu.memory_space<hbm>> -> memref<320x128xf32, #tpu.memory_space<hbm>>
    %dma_wait3A_94 = arith.constant 0 : i32
    %dma_wait3A_95 = tpu.memref_slice %arg4[%add3A_76, %dma_wait3A_94] : memref<100000x128xf32, #tpu.memory_space<hbm>> -> memref<320x128xf32, #tpu.memory_space<hbm>>
    %dma_wait3A_96 = arith.constant 0 : i32
    %dma_wait3A_97 = arith.constant 0 : i32
    %dma_wait3A_98 = tpu.memref_slice %arg9[%dma_wait3A_96, %dma_wait3A_97] : memref<320x128xf32, #tpu.memory_space<vmem>> -> memref<320x128xf32, #tpu.memory_space<vmem>>
    tpu.wait_dma2 semaphore(%arg16 : memref<!tpu.dma_semaphore, #tpu.memory_space<semaphore_mem>>) src(%dma_wait3A_98 : memref<320x128xf32, #tpu.memory_space<vmem>>) dst(%dma_wait3A_95 : memref<320x128xf32, #tpu.memory_space<hbm>>)
    %dma_start3A_99 = arith.constant 0 : i32
    %dma_start3A_100 = arith.constant 0 : i32
    %dma_start3A_101 = tpu.memref_slice %arg9[%dma_start3A_99, %dma_start3A_100] : memref<320x128xf32, #tpu.memory_space<vmem>> -> memref<320x128xf32, #tpu.memory_space<vmem>>
    %dma_start3A_102 = arith.constant 0 : i32
    %dma_start3A_103 = arith.constant 0 : i32
    %dma_start3A_104 = tpu.memref_slice %arg5[%dma_start3A_102, %dma_start3A_103] : memref<16x128xf32, #tpu.memory_space<vmem_shared>> -> memref<16x128xf32, #tpu.memory_space<vmem_shared>>
    tpu.enqueue_indirect_dma source(%dma_start3A_104 : memref<16x128xf32, #tpu.memory_space<vmem_shared>>) target(%dma_start3A_101 : memref<320x128xf32, #tpu.memory_space<vmem>>) offsets(%arg6 : memref<320xi32, #tpu.memory_space<vmem>>) semaphore(%arg13 : memref<!tpu.dma_semaphore, #tpu.memory_space<semaphore_mem>>)
    %dma_wait3A_105 = arith.constant 0 : i32
    %dma_wait3A_106 = arith.constant 0 : i32
    %dma_wait3A_107 = tpu.memref_slice %arg10[%dma_wait3A_105, %dma_wait3A_106] : memref<320x128xf32, #tpu.memory_space<vmem>> -> memref<320x128xf32, #tpu.memory_space<vmem>>
    %dma_wait3A_108 = arith.constant 0 : i32
    %dma_wait3A_109 = arith.constant 0 : i32
    %dma_wait3A_110 = tpu.memref_slice %arg5[%dma_wait3A_108, %dma_wait3A_109] : memref<16x128xf32, #tpu.memory_space<vmem_shared>> -> memref<16x128xf32, #tpu.memory_space<vmem_shared>>
    tpu.wait_indirect_dma semaphore(%arg14 : memref<!tpu.dma_semaphore, #tpu.memory_space<semaphore_mem>>) src(%dma_wait3A_110 : memref<16x128xf32, #tpu.memory_space<vmem_shared>>) dst(%dma_wait3A_107 : memref<320x128xf32, #tpu.memory_space<vmem>>)
    %add3A_111 = arith.constant 320 : i32
    %add3A_112 = arith.addi %mul3A_44, %add3A_111 : i32
    %dma_start3A_113 = arith.constant 0 : i32
    %dma_start3A_114 = arith.constant 0 : i32
    %dma_start3A_115 = tpu.memref_slice %arg10[%dma_start3A_113, %dma_start3A_114] : memref<320x128xf32, #tpu.memory_space<vmem>> -> memref<320x128xf32, #tpu.memory_space<vmem>>
    %dma_start3A_116 = arith.constant 0 : i32
    %dma_start3A_117 = tpu.memref_slice %arg4[%add3A_112, %dma_start3A_116] : memref<100000x128xf32, #tpu.memory_space<hbm>> -> memref<320x128xf32, #tpu.memory_space<hbm>>
    %dma_start3A_118 = arith.constant 0 : i32
    %dma_start3A_119 = tpu.memref_slice %arg4[%add3A_112, %dma_start3A_118] : memref<100000x128xf32, #tpu.memory_space<hbm>> -> memref<320x128xf32, #tpu.memory_space<hbm>>
    %dma_start3A_120 = arith.constant 0 : i32
    %dma_start3A_121 = arith.constant 0 : i32
    %dma_start3A_122 = tpu.memref_slice %arg10[%dma_start3A_120, %dma_start3A_121] : memref<320x128xf32, #tpu.memory_space<vmem>> -> memref<320x128xf32, #tpu.memory_space<vmem>>
    tpu.enqueue_dma source(%dma_start3A_122 : memref<320x128xf32, #tpu.memory_space<vmem>>) target(%dma_start3A_119 : memref<320x128xf32, #tpu.memory_space<hbm>>) target_semaphore(%arg17 : memref<!tpu.dma_semaphore, #tpu.memory_space<semaphore_mem>>)
    %add3A_123 = arith.constant 1280 : i32
    %add3A_124 = arith.addi %mul3A_44, %add3A_123 : i32
    "tpu.region"() ({
      %run_scoped3A = tpu.sem_alloc : memref<!tpu.dma_semaphore, #tpu.memory_space<semaphore_mem>>
      %dma_start3A_405 = tpu.memref_slice %arg2[%add3A_124] : memref<100000xi32, #tpu.memory_space<hbm>> -> memref<320xi32, #tpu.memory_space<hbm>>
      %dma_start3A_406 = tpu.memref_slice %arg2[%add3A_124] : memref<100000xi32, #tpu.memory_space<hbm>> -> memref<320xi32, #tpu.memory_space<hbm>>
      tpu.enqueue_dma source(%dma_start3A_406 : memref<320xi32, #tpu.memory_space<hbm>>) target(%arg7 : memref<320xi32, #tpu.memory_space<vmem>>) target_semaphore(%run_scoped3A : memref<!tpu.dma_semaphore, #tpu.memory_space<semaphore_mem>>)
      %dma_wait3A_407 = tpu.memref_slice %arg2[%add3A_124] : memref<100000xi32, #tpu.memory_space<hbm>> -> memref<320xi32, #tpu.memory_space<hbm>>
      %dma_wait3A_408 = tpu.memref_slice %arg2[%add3A_124] : memref<100000xi32, #tpu.memory_space<hbm>> -> memref<320xi32, #tpu.memory_space<hbm>>
      tpu.wait_dma2 semaphore(%run_scoped3A : memref<!tpu.dma_semaphore, #tpu.memory_space<semaphore_mem>>) src(%dma_wait3A_408 : memref<320xi32, #tpu.memory_space<hbm>>) dst(%arg7 : memref<320xi32, #tpu.memory_space<vmem>>)
      tpu.yield
    }) : () -> ()
    %dma_wait3A_125 = arith.constant 0 : i32
    %dma_wait3A_126 = arith.constant 0 : i32
    %dma_wait3A_127 = tpu.memref_slice %arg10[%dma_wait3A_125, %dma_wait3A_126] : memref<320x128xf32, #tpu.memory_space<vmem>> -> memref<320x128xf32, #tpu.memory_space<vmem>>
    %dma_wait3A_128 = arith.constant 0 : i32
    %dma_wait3A_129 = tpu.memref_slice %arg4[%add3A_112, %dma_wait3A_128] : memref<100000x128xf32, #tpu.memory_space<hbm>> -> memref<320x128xf32, #tpu.memory_space<hbm>>
    %dma_wait3A_130 = arith.constant 0 : i32
    %dma_wait3A_131 = tpu.memref_slice %arg4[%add3A_112, %dma_wait3A_130] : memref<100000x128xf32, #tpu.memory_space<hbm>> -> memref<320x128xf32, #tpu.memory_space<hbm>>
    %dma_wait3A_132 = arith.constant 0 : i32
    %dma_wait3A_133 = arith.constant 0 : i32
    %dma_wait3A_134 = tpu.memref_slice %arg10[%dma_wait3A_132, %dma_wait3A_133] : memref<320x128xf32, #tpu.memory_space<vmem>> -> memref<320x128xf32, #tpu.memory_space<vmem>>
    tpu.wait_dma2 semaphore(%arg17 : memref<!tpu.dma_semaphore, #tpu.memory_space<semaphore_mem>>) src(%dma_wait3A_134 : memref<320x128xf32, #tpu.memory_space<vmem>>) dst(%dma_wait3A_131 : memref<320x128xf32, #tpu.memory_space<hbm>>)
    %dma_start3A_135 = arith.constant 0 : i32
    %dma_start3A_136 = arith.constant 0 : i32
    %dma_start3A_137 = tpu.memref_slice %arg10[%dma_start3A_135, %dma_start3A_136] : memref<320x128xf32, #tpu.memory_space<vmem>> -> memref<320x128xf32, #tpu.memory_space<vmem>>
    %dma_start3A_138 = arith.constant 0 : i32
    %dma_start3A_139 = arith.constant 0 : i32
    %dma_start3A_140 = tpu.memref_slice %arg5[%dma_start3A_138, %dma_start3A_139] : memref<16x128xf32, #tpu.memory_space<vmem_shared>> -> memref<16x128xf32, #tpu.memory_space<vmem_shared>>
    tpu.enqueue_indirect_dma source(%dma_start3A_140 : memref<16x128xf32, #tpu.memory_space<vmem_shared>>) target(%dma_start3A_137 : memref<320x128xf32, #tpu.memory_space<vmem>>) offsets(%arg7 : memref<320xi32, #tpu.memory_space<vmem>>) semaphore(%arg14 : memref<!tpu.dma_semaphore, #tpu.memory_space<semaphore_mem>>)
    %dma_wait3A_141 = arith.constant 0 : i32
    %dma_wait3A_142 = arith.constant 0 : i32
    %dma_wait3A_143 = tpu.memref_slice %arg11[%dma_wait3A_141, %dma_wait3A_142] : memref<320x128xf32, #tpu.memory_space<vmem>> -> memref<320x128xf32, #tpu.memory_space<vmem>>
    %dma_wait3A_144 = arith.constant 0 : i32
    %dma_wait3A_145 = arith.constant 0 : i32
    %dma_wait3A_146 = tpu.memref_slice %arg5[%dma_wait3A_144, %dma_wait3A_145] : memref<16x128xf32, #tpu.memory_space<vmem_shared>> -> memref<16x128xf32, #tpu.memory_space<vmem_shared>>
    tpu.wait_indirect_dma semaphore(%arg15 : memref<!tpu.dma_semaphore, #tpu.memory_space<semaphore_mem>>) src(%dma_wait3A_146 : memref<16x128xf32, #tpu.memory_space<vmem_shared>>) dst(%dma_wait3A_143 : memref<320x128xf32, #tpu.memory_space<vmem>>)
    %add3A_147 = arith.constant 640 : i32
    %add3A_148 = arith.addi %mul3A_44, %add3A_147 : i32
    %dma_start3A_149 = arith.constant 0 : i32
    %dma_start3A_150 = arith.constant 0 : i32
    %dma_start3A_151 = tpu.memref_slice %arg11[%dma_start3A_149, %dma_start3A_150] : memref<320x128xf32, #tpu.memory_space<vmem>> -> memref<320x128xf32, #tpu.memory_space<vmem>>
    %dma_start3A_152 = arith.constant 0 : i32
    %dma_start3A_153 = tpu.memref_slice %arg4[%add3A_148, %dma_start3A_152] : memref<100000x128xf32, #tpu.memory_space<hbm>> -> memref<320x128xf32, #tpu.memory_space<hbm>>
    %dma_start3A_154 = arith.constant 0 : i32
    %dma_start3A_155 = tpu.memref_slice %arg4[%add3A_148, %dma_start3A_154] : memref<100000x128xf32, #tpu.memory_space<hbm>> -> memref<320x128xf32, #tpu.memory_space<hbm>>
    %dma_start3A_156 = arith.constant 0 : i32
    %dma_start3A_157 = arith.constant 0 : i32
    %dma_start3A_158 = tpu.memref_slice %arg11[%dma_start3A_156, %dma_start3A_157] : memref<320x128xf32, #tpu.memory_space<vmem>> -> memref<320x128xf32, #tpu.memory_space<vmem>>
    tpu.enqueue_dma source(%dma_start3A_158 : memref<320x128xf32, #tpu.memory_space<vmem>>) target(%dma_start3A_155 : memref<320x128xf32, #tpu.memory_space<hbm>>) target_semaphore(%arg18 : memref<!tpu.dma_semaphore, #tpu.memory_space<semaphore_mem>>)
    %add3A_159 = arith.constant 1600 : i32
    %add3A_160 = arith.addi %mul3A_44, %add3A_159 : i32
    "tpu.region"() ({
      %run_scoped3A = tpu.sem_alloc : memref<!tpu.dma_semaphore, #tpu.memory_space<semaphore_mem>>
      %dma_start3A_405 = tpu.memref_slice %arg2[%add3A_160] : memref<100000xi32, #tpu.memory_space<hbm>> -> memref<320xi32, #tpu.memory_space<hbm>>
      %dma_start3A_406 = tpu.memref_slice %arg2[%add3A_160] : memref<100000xi32, #tpu.memory_space<hbm>> -> memref<320xi32, #tpu.memory_space<hbm>>
      tpu.enqueue_dma source(%dma_start3A_406 : memref<320xi32, #tpu.memory_space<hbm>>) target(%arg8 : memref<320xi32, #tpu.memory_space<vmem>>) target_semaphore(%run_scoped3A : memref<!tpu.dma_semaphore, #tpu.memory_space<semaphore_mem>>)
      %dma_wait3A_407 = tpu.memref_slice %arg2[%add3A_160] : memref<100000xi32, #tpu.memory_space<hbm>> -> memref<320xi32, #tpu.memory_space<hbm>>
      %dma_wait3A_408 = tpu.memref_slice %arg2[%add3A_160] : memref<100000xi32, #tpu.memory_space<hbm>> -> memref<320xi32, #tpu.memory_space<hbm>>
      tpu.wait_dma2 semaphore(%run_scoped3A : memref<!tpu.dma_semaphore, #tpu.memory_space<semaphore_mem>>) src(%dma_wait3A_408 : memref<320xi32, #tpu.memory_space<hbm>>) dst(%arg8 : memref<320xi32, #tpu.memory_space<vmem>>)
      tpu.yield
    }) : () -> ()
    %dma_wait3A_161 = arith.constant 0 : i32
    %dma_wait3A_162 = arith.constant 0 : i32
    %dma_wait3A_163 = tpu.memref_slice %arg11[%dma_wait3A_161, %dma_wait3A_162] : memref<320x128xf32, #tpu.memory_space<vmem>> -> memref<320x128xf32, #tpu.memory_space<vmem>>
    %dma_wait3A_164 = arith.constant 0 : i32
    %dma_wait3A_165 = tpu.memref_slice %arg4[%add3A_148, %dma_wait3A_164] : memref<100000x128xf32, #tpu.memory_space<hbm>> -> memref<320x128xf32, #tpu.memory_space<hbm>>
    %dma_wait3A_166 = arith.constant 0 : i32
    %dma_wait3A_167 = tpu.memref_slice %arg4[%add3A_148, %dma_wait3A_166] : memref<100000x128xf32, #tpu.memory_space<hbm>> -> memref<320x128xf32, #tpu.memory_space<hbm>>
    %dma_wait3A_168 = arith.constant 0 : i32
    %dma_wait3A_169 = arith.constant 0 : i32
    %dma_wait3A_170 = tpu.memref_slice %arg11[%dma_wait3A_168, %dma_wait3A_169] : memref<320x128xf32, #tpu.memory_space<vmem>> -> memref<320x128xf32, #tpu.memory_space<vmem>>
    tpu.wait_dma2 semaphore(%arg18 : memref<!tpu.dma_semaphore, #tpu.memory_space<semaphore_mem>>) src(%dma_wait3A_170 : memref<320x128xf32, #tpu.memory_space<vmem>>) dst(%dma_wait3A_167 : memref<320x128xf32, #tpu.memory_space<hbm>>)
    %dma_start3A_171 = arith.constant 0 : i32
    %dma_start3A_172 = arith.constant 0 : i32
    %dma_start3A_173 = tpu.memref_slice %arg11[%dma_start3A_171, %dma_start3A_172] : memref<320x128xf32, #tpu.memory_space<vmem>> -> memref<320x128xf32, #tpu.memory_space<vmem>>
    %dma_start3A_174 = arith.constant 0 : i32
    %dma_start3A_175 = arith.constant 0 : i32
    %dma_start3A_176 = tpu.memref_slice %arg5[%dma_start3A_174, %dma_start3A_175] : memref<16x128xf32, #tpu.memory_space<vmem_shared>> -> memref<16x128xf32, #tpu.memory_space<vmem_shared>>
    tpu.enqueue_indirect_dma source(%dma_start3A_176 : memref<16x128xf32, #tpu.memory_space<vmem_shared>>) target(%dma_start3A_173 : memref<320x128xf32, #tpu.memory_space<vmem>>) offsets(%arg8 : memref<320xi32, #tpu.memory_space<vmem>>) semaphore(%arg15 : memref<!tpu.dma_semaphore, #tpu.memory_space<semaphore_mem>>)
    %dma_wait3A_177 = arith.constant 0 : i32
    %dma_wait3A_178 = arith.constant 0 : i32
    %dma_wait3A_179 = tpu.memref_slice %arg9[%dma_wait3A_177, %dma_wait3A_178] : memref<320x128xf32, #tpu.memory_space<vmem>> -> memref<320x128xf32, #tpu.memory_space<vmem>>
    %dma_wait3A_180 = arith.constant 0 : i32
    %dma_wait3A_181 = arith.constant 0 : i32
    %dma_wait3A_182 = tpu.memref_slice %arg5[%dma_wait3A_180, %dma_wait3A_181] : memref<16x128xf32, #tpu.memory_space<vmem_shared>> -> memref<16x128xf32, #tpu.memory_space<vmem_shared>>
    tpu.wait_indirect_dma semaphore(%arg13 : memref<!tpu.dma_semaphore, #tpu.memory_space<semaphore_mem>>) src(%dma_wait3A_182 : memref<16x128xf32, #tpu.memory_space<vmem_shared>>) dst(%dma_wait3A_179 : memref<320x128xf32, #tpu.memory_space<vmem>>)
    %add3A_183 = arith.constant 960 : i32
    %add3A_184 = arith.addi %mul3A_44, %add3A_183 : i32
    %dma_start3A_185 = arith.constant 0 : i32
    %dma_start3A_186 = arith.constant 0 : i32
    %dma_start3A_187 = tpu.memref_slice %arg9[%dma_start3A_185, %dma_start3A_186] : memref<320x128xf32, #tpu.memory_space<vmem>> -> memref<320x128xf32, #tpu.memory_space<vmem>>
    %dma_start3A_188 = arith.constant 0 : i32
    %dma_start3A_189 = tpu.memref_slice %arg4[%add3A_184, %dma_start3A_188] : memref<100000x128xf32, #tpu.memory_space<hbm>> -> memref<320x128xf32, #tpu.memory_space<hbm>>
    %dma_start3A_190 = arith.constant 0 : i32
    %dma_start3A_191 = tpu.memref_slice %arg4[%add3A_184, %dma_start3A_190] : memref<100000x128xf32, #tpu.memory_space<hbm>> -> memref<320x128xf32, #tpu.memory_space<hbm>>
    %dma_start3A_192 = arith.constant 0 : i32
    %dma_start3A_193 = arith.constant 0 : i32
    %dma_start3A_194 = tpu.memref_slice %arg9[%dma_start3A_192, %dma_start3A_193] : memref<320x128xf32, #tpu.memory_space<vmem>> -> memref<320x128xf32, #tpu.memory_space<vmem>>
    tpu.enqueue_dma source(%dma_start3A_194 : memref<320x128xf32, #tpu.memory_space<vmem>>) target(%dma_start3A_191 : memref<320x128xf32, #tpu.memory_space<hbm>>) target_semaphore(%arg16 : memref<!tpu.dma_semaphore, #tpu.memory_space<semaphore_mem>>)
    %add3A_195 = arith.constant 1920 : i32
    %add3A_196 = arith.addi %mul3A_44, %add3A_195 : i32
    "tpu.region"() ({
      %run_scoped3A = tpu.sem_alloc : memref<!tpu.dma_semaphore, #tpu.memory_space<semaphore_mem>>
      %dma_start3A_405 = tpu.memref_slice %arg2[%add3A_196] : memref<100000xi32, #tpu.memory_space<hbm>> -> memref<320xi32, #tpu.memory_space<hbm>>
      %dma_start3A_406 = tpu.memref_slice %arg2[%add3A_196] : memref<100000xi32, #tpu.memory_space<hbm>> -> memref<320xi32, #tpu.memory_space<hbm>>
      tpu.enqueue_dma source(%dma_start3A_406 : memref<320xi32, #tpu.memory_space<hbm>>) target(%arg6 : memref<320xi32, #tpu.memory_space<vmem>>) target_semaphore(%run_scoped3A : memref<!tpu.dma_semaphore, #tpu.memory_space<semaphore_mem>>)
      %dma_wait3A_407 = tpu.memref_slice %arg2[%add3A_196] : memref<100000xi32, #tpu.memory_space<hbm>> -> memref<320xi32, #tpu.memory_space<hbm>>
      %dma_wait3A_408 = tpu.memref_slice %arg2[%add3A_196] : memref<100000xi32, #tpu.memory_space<hbm>> -> memref<320xi32, #tpu.memory_space<hbm>>
      tpu.wait_dma2 semaphore(%run_scoped3A : memref<!tpu.dma_semaphore, #tpu.memory_space<semaphore_mem>>) src(%dma_wait3A_408 : memref<320xi32, #tpu.memory_space<hbm>>) dst(%arg6 : memref<320xi32, #tpu.memory_space<vmem>>)
      tpu.yield
    }) : () -> ()
    %dma_wait3A_197 = arith.constant 0 : i32
    %dma_wait3A_198 = arith.constant 0 : i32
    %dma_wait3A_199 = tpu.memref_slice %arg9[%dma_wait3A_197, %dma_wait3A_198] : memref<320x128xf32, #tpu.memory_space<vmem>> -> memref<320x128xf32, #tpu.memory_space<vmem>>
    %dma_wait3A_200 = arith.constant 0 : i32
    %dma_wait3A_201 = tpu.memref_slice %arg4[%add3A_184, %dma_wait3A_200] : memref<100000x128xf32, #tpu.memory_space<hbm>> -> memref<320x128xf32, #tpu.memory_space<hbm>>
    %dma_wait3A_202 = arith.constant 0 : i32
    %dma_wait3A_203 = tpu.memref_slice %arg4[%add3A_184, %dma_wait3A_202] : memref<100000x128xf32, #tpu.memory_space<hbm>> -> memref<320x128xf32, #tpu.memory_space<hbm>>
    %dma_wait3A_204 = arith.constant 0 : i32
    %dma_wait3A_205 = arith.constant 0 : i32
    %dma_wait3A_206 = tpu.memref_slice %arg9[%dma_wait3A_204, %dma_wait3A_205] : memref<320x128xf32, #tpu.memory_space<vmem>> -> memref<320x128xf32, #tpu.memory_space<vmem>>
    tpu.wait_dma2 semaphore(%arg16 : memref<!tpu.dma_semaphore, #tpu.memory_space<semaphore_mem>>) src(%dma_wait3A_206 : memref<320x128xf32, #tpu.memory_space<vmem>>) dst(%dma_wait3A_203 : memref<320x128xf32, #tpu.memory_space<hbm>>)
    %dma_start3A_207 = arith.constant 0 : i32
    %dma_start3A_208 = arith.constant 0 : i32
    %dma_start3A_209 = tpu.memref_slice %arg9[%dma_start3A_207, %dma_start3A_208] : memref<320x128xf32, #tpu.memory_space<vmem>> -> memref<320x128xf32, #tpu.memory_space<vmem>>
    %dma_start3A_210 = arith.constant 0 : i32
    %dma_start3A_211 = arith.constant 0 : i32
    %dma_start3A_212 = tpu.memref_slice %arg5[%dma_start3A_210, %dma_start3A_211] : memref<16x128xf32, #tpu.memory_space<vmem_shared>> -> memref<16x128xf32, #tpu.memory_space<vmem_shared>>
    tpu.enqueue_indirect_dma source(%dma_start3A_212 : memref<16x128xf32, #tpu.memory_space<vmem_shared>>) target(%dma_start3A_209 : memref<320x128xf32, #tpu.memory_space<vmem>>) offsets(%arg6 : memref<320xi32, #tpu.memory_space<vmem>>) semaphore(%arg13 : memref<!tpu.dma_semaphore, #tpu.memory_space<semaphore_mem>>)
    %dma_wait3A_213 = arith.constant 0 : i32
    %dma_wait3A_214 = arith.constant 0 : i32
    %dma_wait3A_215 = tpu.memref_slice %arg10[%dma_wait3A_213, %dma_wait3A_214] : memref<320x128xf32, #tpu.memory_space<vmem>> -> memref<320x128xf32, #tpu.memory_space<vmem>>
    %dma_wait3A_216 = arith.constant 0 : i32
    %dma_wait3A_217 = arith.constant 0 : i32
    %dma_wait3A_218 = tpu.memref_slice %arg5[%dma_wait3A_216, %dma_wait3A_217] : memref<16x128xf32, #tpu.memory_space<vmem_shared>> -> memref<16x128xf32, #tpu.memory_space<vmem_shared>>
    tpu.wait_indirect_dma semaphore(%arg14 : memref<!tpu.dma_semaphore, #tpu.memory_space<semaphore_mem>>) src(%dma_wait3A_218 : memref<16x128xf32, #tpu.memory_space<vmem_shared>>) dst(%dma_wait3A_215 : memref<320x128xf32, #tpu.memory_space<vmem>>)
    %add3A_219 = arith.constant 1280 : i32
    %add3A_220 = arith.addi %mul3A_44, %add3A_219 : i32
    %dma_start3A_221 = arith.constant 0 : i32
    %dma_start3A_222 = arith.constant 0 : i32
    %dma_start3A_223 = tpu.memref_slice %arg10[%dma_start3A_221, %dma_start3A_222] : memref<320x128xf32, #tpu.memory_space<vmem>> -> memref<320x128xf32, #tpu.memory_space<vmem>>
    %dma_start3A_224 = arith.constant 0 : i32
    %dma_start3A_225 = tpu.memref_slice %arg4[%add3A_220, %dma_start3A_224] : memref<100000x128xf32, #tpu.memory_space<hbm>> -> memref<320x128xf32, #tpu.memory_space<hbm>>
    %dma_start3A_226 = arith.constant 0 : i32
    %dma_start3A_227 = tpu.memref_slice %arg4[%add3A_220, %dma_start3A_226] : memref<100000x128xf32, #tpu.memory_space<hbm>> -> memref<320x128xf32, #tpu.memory_space<hbm>>
    %dma_start3A_228 = arith.constant 0 : i32
    %dma_start3A_229 = arith.constant 0 : i32
    %dma_start3A_230 = tpu.memref_slice %arg10[%dma_start3A_228, %dma_start3A_229] : memref<320x128xf32, #tpu.memory_space<vmem>> -> memref<320x128xf32, #tpu.memory_space<vmem>>
    tpu.enqueue_dma source(%dma_start3A_230 : memref<320x128xf32, #tpu.memory_space<vmem>>) target(%dma_start3A_227 : memref<320x128xf32, #tpu.memory_space<hbm>>) target_semaphore(%arg17 : memref<!tpu.dma_semaphore, #tpu.memory_space<semaphore_mem>>)
    %add3A_231 = arith.constant 2240 : i32
    %add3A_232 = arith.addi %mul3A_44, %add3A_231 : i32
    "tpu.region"() ({
      %run_scoped3A = tpu.sem_alloc : memref<!tpu.dma_semaphore, #tpu.memory_space<semaphore_mem>>
      %dma_start3A_405 = tpu.memref_slice %arg2[%add3A_232] : memref<100000xi32, #tpu.memory_space<hbm>> -> memref<320xi32, #tpu.memory_space<hbm>>
      %dma_start3A_406 = tpu.memref_slice %arg2[%add3A_232] : memref<100000xi32, #tpu.memory_space<hbm>> -> memref<320xi32, #tpu.memory_space<hbm>>
      tpu.enqueue_dma source(%dma_start3A_406 : memref<320xi32, #tpu.memory_space<hbm>>) target(%arg7 : memref<320xi32, #tpu.memory_space<vmem>>) target_semaphore(%run_scoped3A : memref<!tpu.dma_semaphore, #tpu.memory_space<semaphore_mem>>)
      %dma_wait3A_407 = tpu.memref_slice %arg2[%add3A_232] : memref<100000xi32, #tpu.memory_space<hbm>> -> memref<320xi32, #tpu.memory_space<hbm>>
      %dma_wait3A_408 = tpu.memref_slice %arg2[%add3A_232] : memref<100000xi32, #tpu.memory_space<hbm>> -> memref<320xi32, #tpu.memory_space<hbm>>
      tpu.wait_dma2 semaphore(%run_scoped3A : memref<!tpu.dma_semaphore, #tpu.memory_space<semaphore_mem>>) src(%dma_wait3A_408 : memref<320xi32, #tpu.memory_space<hbm>>) dst(%arg7 : memref<320xi32, #tpu.memory_space<vmem>>)
      tpu.yield
    }) : () -> ()
    %dma_wait3A_233 = arith.constant 0 : i32
    %dma_wait3A_234 = arith.constant 0 : i32
    %dma_wait3A_235 = tpu.memref_slice %arg10[%dma_wait3A_233, %dma_wait3A_234] : memref<320x128xf32, #tpu.memory_space<vmem>> -> memref<320x128xf32, #tpu.memory_space<vmem>>
    %dma_wait3A_236 = arith.constant 0 : i32
    %dma_wait3A_237 = tpu.memref_slice %arg4[%add3A_220, %dma_wait3A_236] : memref<100000x128xf32, #tpu.memory_space<hbm>> -> memref<320x128xf32, #tpu.memory_space<hbm>>
    %dma_wait3A_238 = arith.constant 0 : i32
    %dma_wait3A_239 = tpu.memref_slice %arg4[%add3A_220, %dma_wait3A_238] : memref<100000x128xf32, #tpu.memory_space<hbm>> -> memref<320x128xf32, #tpu.memory_space<hbm>>
    %dma_wait3A_240 = arith.constant 0 : i32
    %dma_wait3A_241 = arith.constant 0 : i32
    %dma_wait3A_242 = tpu.memref_slice %arg10[%dma_wait3A_240, %dma_wait3A_241] : memref<320x128xf32, #tpu.memory_space<vmem>> -> memref<320x128xf32, #tpu.memory_space<vmem>>
    tpu.wait_dma2 semaphore(%arg17 : memref<!tpu.dma_semaphore, #tpu.memory_space<semaphore_mem>>) src(%dma_wait3A_242 : memref<320x128xf32, #tpu.memory_space<vmem>>) dst(%dma_wait3A_239 : memref<320x128xf32, #tpu.memory_space<hbm>>)
    %dma_start3A_243 = arith.constant 0 : i32
    %dma_start3A_244 = arith.constant 0 : i32
    %dma_start3A_245 = tpu.memref_slice %arg10[%dma_start3A_243, %dma_start3A_244] : memref<320x128xf32, #tpu.memory_space<vmem>> -> memref<320x128xf32, #tpu.memory_space<vmem>>
    %dma_start3A_246 = arith.constant 0 : i32
    %dma_start3A_247 = arith.constant 0 : i32
    %dma_start3A_248 = tpu.memref_slice %arg5[%dma_start3A_246, %dma_start3A_247] : memref<16x128xf32, #tpu.memory_space<vmem_shared>> -> memref<16x128xf32, #tpu.memory_space<vmem_shared>>
    tpu.enqueue_indirect_dma source(%dma_start3A_248 : memref<16x128xf32, #tpu.memory_space<vmem_shared>>) target(%dma_start3A_245 : memref<320x128xf32, #tpu.memory_space<vmem>>) offsets(%arg7 : memref<320xi32, #tpu.memory_space<vmem>>) semaphore(%arg14 : memref<!tpu.dma_semaphore, #tpu.memory_space<semaphore_mem>>)
    %dma_wait3A_249 = arith.constant 0 : i32
    %dma_wait3A_250 = arith.constant 0 : i32
    %dma_wait3A_251 = tpu.memref_slice %arg11[%dma_wait3A_249, %dma_wait3A_250] : memref<320x128xf32, #tpu.memory_space<vmem>> -> memref<320x128xf32, #tpu.memory_space<vmem>>
    %dma_wait3A_252 = arith.constant 0 : i32
    %dma_wait3A_253 = arith.constant 0 : i32
    %dma_wait3A_254 = tpu.memref_slice %arg5[%dma_wait3A_252, %dma_wait3A_253] : memref<16x128xf32, #tpu.memory_space<vmem_shared>> -> memref<16x128xf32, #tpu.memory_space<vmem_shared>>
    tpu.wait_indirect_dma semaphore(%arg15 : memref<!tpu.dma_semaphore, #tpu.memory_space<semaphore_mem>>) src(%dma_wait3A_254 : memref<16x128xf32, #tpu.memory_space<vmem_shared>>) dst(%dma_wait3A_251 : memref<320x128xf32, #tpu.memory_space<vmem>>)
    %add3A_255 = arith.constant 1600 : i32
    %add3A_256 = arith.addi %mul3A_44, %add3A_255 : i32
    %dma_start3A_257 = arith.constant 0 : i32
    %dma_start3A_258 = arith.constant 0 : i32
    %dma_start3A_259 = tpu.memref_slice %arg11[%dma_start3A_257, %dma_start3A_258] : memref<320x128xf32, #tpu.memory_space<vmem>> -> memref<320x128xf32, #tpu.memory_space<vmem>>
    %dma_start3A_260 = arith.constant 0 : i32
    %dma_start3A_261 = tpu.memref_slice %arg4[%add3A_256, %dma_start3A_260] : memref<100000x128xf32, #tpu.memory_space<hbm>> -> memref<320x128xf32, #tpu.memory_space<hbm>>
    %dma_start3A_262 = arith.constant 0 : i32
    %dma_start3A_263 = tpu.memref_slice %arg4[%add3A_256, %dma_start3A_262] : memref<100000x128xf32, #tpu.memory_space<hbm>> -> memref<320x128xf32, #tpu.memory_space<hbm>>
    %dma_start3A_264 = arith.constant 0 : i32
    %dma_start3A_265 = arith.constant 0 : i32
    %dma_start3A_266 = tpu.memref_slice %arg11[%dma_start3A_264, %dma_start3A_265] : memref<320x128xf32, #tpu.memory_space<vmem>> -> memref<320x128xf32, #tpu.memory_space<vmem>>
    tpu.enqueue_dma source(%dma_start3A_266 : memref<320x128xf32, #tpu.memory_space<vmem>>) target(%dma_start3A_263 : memref<320x128xf32, #tpu.memory_space<hbm>>) target_semaphore(%arg18 : memref<!tpu.dma_semaphore, #tpu.memory_space<semaphore_mem>>)
    %add3A_267 = arith.constant 2560 : i32
    %add3A_268 = arith.addi %mul3A_44, %add3A_267 : i32
    "tpu.region"() ({
      %run_scoped3A = tpu.sem_alloc : memref<!tpu.dma_semaphore, #tpu.memory_space<semaphore_mem>>
      %dma_start3A_405 = tpu.memref_slice %arg2[%add3A_268] : memref<100000xi32, #tpu.memory_space<hbm>> -> memref<320xi32, #tpu.memory_space<hbm>>
      %dma_start3A_406 = tpu.memref_slice %arg2[%add3A_268] : memref<100000xi32, #tpu.memory_space<hbm>> -> memref<320xi32, #tpu.memory_space<hbm>>
      tpu.enqueue_dma source(%dma_start3A_406 : memref<320xi32, #tpu.memory_space<hbm>>) target(%arg8 : memref<320xi32, #tpu.memory_space<vmem>>) target_semaphore(%run_scoped3A : memref<!tpu.dma_semaphore, #tpu.memory_space<semaphore_mem>>)
      %dma_wait3A_407 = tpu.memref_slice %arg2[%add3A_268] : memref<100000xi32, #tpu.memory_space<hbm>> -> memref<320xi32, #tpu.memory_space<hbm>>
      %dma_wait3A_408 = tpu.memref_slice %arg2[%add3A_268] : memref<100000xi32, #tpu.memory_space<hbm>> -> memref<320xi32, #tpu.memory_space<hbm>>
      tpu.wait_dma2 semaphore(%run_scoped3A : memref<!tpu.dma_semaphore, #tpu.memory_space<semaphore_mem>>) src(%dma_wait3A_408 : memref<320xi32, #tpu.memory_space<hbm>>) dst(%arg8 : memref<320xi32, #tpu.memory_space<vmem>>)
      tpu.yield
    }) : () -> ()
    %dma_wait3A_269 = arith.constant 0 : i32
    %dma_wait3A_270 = arith.constant 0 : i32
    %dma_wait3A_271 = tpu.memref_slice %arg11[%dma_wait3A_269, %dma_wait3A_270] : memref<320x128xf32, #tpu.memory_space<vmem>> -> memref<320x128xf32, #tpu.memory_space<vmem>>
    %dma_wait3A_272 = arith.constant 0 : i32
    %dma_wait3A_273 = tpu.memref_slice %arg4[%add3A_256, %dma_wait3A_272] : memref<100000x128xf32, #tpu.memory_space<hbm>> -> memref<320x128xf32, #tpu.memory_space<hbm>>
    %dma_wait3A_274 = arith.constant 0 : i32
    %dma_wait3A_275 = tpu.memref_slice %arg4[%add3A_256, %dma_wait3A_274] : memref<100000x128xf32, #tpu.memory_space<hbm>> -> memref<320x128xf32, #tpu.memory_space<hbm>>
    %dma_wait3A_276 = arith.constant 0 : i32
    %dma_wait3A_277 = arith.constant 0 : i32
    %dma_wait3A_278 = tpu.memref_slice %arg11[%dma_wait3A_276, %dma_wait3A_277] : memref<320x128xf32, #tpu.memory_space<vmem>> -> memref<320x128xf32, #tpu.memory_space<vmem>>
    tpu.wait_dma2 semaphore(%arg18 : memref<!tpu.dma_semaphore, #tpu.memory_space<semaphore_mem>>) src(%dma_wait3A_278 : memref<320x128xf32, #tpu.memory_space<vmem>>) dst(%dma_wait3A_275 : memref<320x128xf32, #tpu.memory_space<hbm>>)
    %dma_start3A_279 = arith.constant 0 : i32
    %dma_start3A_280 = arith.constant 0 : i32
    %dma_start3A_281 = tpu.memref_slice %arg11[%dma_start3A_279, %dma_start3A_280] : memref<320x128xf32, #tpu.memory_space<vmem>> -> memref<320x128xf32, #tpu.memory_space<vmem>>
    %dma_start3A_282 = arith.constant 0 : i32
    %dma_start3A_283 = arith.constant 0 : i32
    %dma_start3A_284 = tpu.memref_slice %arg5[%dma_start3A_282, %dma_start3A_283] : memref<16x128xf32, #tpu.memory_space<vmem_shared>> -> memref<16x128xf32, #tpu.memory_space<vmem_shared>>
    tpu.enqueue_indirect_dma source(%dma_start3A_284 : memref<16x128xf32, #tpu.memory_space<vmem_shared>>) target(%dma_start3A_281 : memref<320x128xf32, #tpu.memory_space<vmem>>) offsets(%arg8 : memref<320xi32, #tpu.memory_space<vmem>>) semaphore(%arg15 : memref<!tpu.dma_semaphore, #tpu.memory_space<semaphore_mem>>)
    %dma_wait3A_285 = arith.constant 0 : i32
    %dma_wait3A_286 = arith.constant 0 : i32
    %dma_wait3A_287 = tpu.memref_slice %arg9[%dma_wait3A_285, %dma_wait3A_286] : memref<320x128xf32, #tpu.memory_space<vmem>> -> memref<320x128xf32, #tpu.memory_space<vmem>>
    %dma_wait3A_288 = arith.constant 0 : i32
    %dma_wait3A_289 = arith.constant 0 : i32
    %dma_wait3A_290 = tpu.memref_slice %arg5[%dma_wait3A_288, %dma_wait3A_289] : memref<16x128xf32, #tpu.memory_space<vmem_shared>> -> memref<16x128xf32, #tpu.memory_space<vmem_shared>>
    tpu.wait_indirect_dma semaphore(%arg13 : memref<!tpu.dma_semaphore, #tpu.memory_space<semaphore_mem>>) src(%dma_wait3A_290 : memref<16x128xf32, #tpu.memory_space<vmem_shared>>) dst(%dma_wait3A_287 : memref<320x128xf32, #tpu.memory_space<vmem>>)
    %add3A_291 = arith.constant 1920 : i32
    %add3A_292 = arith.addi %mul3A_44, %add3A_291 : i32
    %dma_start3A_293 = arith.constant 0 : i32
    %dma_start3A_294 = arith.constant 0 : i32
    %dma_start3A_295 = tpu.memref_slice %arg9[%dma_start3A_293, %dma_start3A_294] : memref<320x128xf32, #tpu.memory_space<vmem>> -> memref<320x128xf32, #tpu.memory_space<vmem>>
    %dma_start3A_296 = arith.constant 0 : i32
    %dma_start3A_297 = tpu.memref_slice %arg4[%add3A_292, %dma_start3A_296] : memref<100000x128xf32, #tpu.memory_space<hbm>> -> memref<320x128xf32, #tpu.memory_space<hbm>>
    %dma_start3A_298 = arith.constant 0 : i32
    %dma_start3A_299 = tpu.memref_slice %arg4[%add3A_292, %dma_start3A_298] : memref<100000x128xf32, #tpu.memory_space<hbm>> -> memref<320x128xf32, #tpu.memory_space<hbm>>
    %dma_start3A_300 = arith.constant 0 : i32
    %dma_start3A_301 = arith.constant 0 : i32
    %dma_start3A_302 = tpu.memref_slice %arg9[%dma_start3A_300, %dma_start3A_301] : memref<320x128xf32, #tpu.memory_space<vmem>> -> memref<320x128xf32, #tpu.memory_space<vmem>>
    tpu.enqueue_dma source(%dma_start3A_302 : memref<320x128xf32, #tpu.memory_space<vmem>>) target(%dma_start3A_299 : memref<320x128xf32, #tpu.memory_space<hbm>>) target_semaphore(%arg16 : memref<!tpu.dma_semaphore, #tpu.memory_space<semaphore_mem>>)
    %add3A_303 = arith.constant 2880 : i32
    %add3A_304 = arith.addi %mul3A_44, %add3A_303 : i32
    "tpu.region"() ({
      %run_scoped3A = tpu.sem_alloc : memref<!tpu.dma_semaphore, #tpu.memory_space<semaphore_mem>>
      %dma_start3A_405 = tpu.memref_slice %arg2[%add3A_304] : memref<100000xi32, #tpu.memory_space<hbm>> -> memref<256xi32, #tpu.memory_space<hbm>>
      %dma_start3A_406 = tpu.memref_slice %arg2[%add3A_304] : memref<100000xi32, #tpu.memory_space<hbm>> -> memref<256xi32, #tpu.memory_space<hbm>>
      tpu.enqueue_dma source(%dma_start3A_406 : memref<256xi32, #tpu.memory_space<hbm>>) target(%arg12 : memref<256xi32, #tpu.memory_space<vmem>>) target_semaphore(%run_scoped3A : memref<!tpu.dma_semaphore, #tpu.memory_space<semaphore_mem>>)
      %dma_wait3A_407 = tpu.memref_slice %arg2[%add3A_304] : memref<100000xi32, #tpu.memory_space<hbm>> -> memref<256xi32, #tpu.memory_space<hbm>>
      %dma_wait3A_408 = tpu.memref_slice %arg2[%add3A_304] : memref<100000xi32, #tpu.memory_space<hbm>> -> memref<256xi32, #tpu.memory_space<hbm>>
      tpu.wait_dma2 semaphore(%run_scoped3A : memref<!tpu.dma_semaphore, #tpu.memory_space<semaphore_mem>>) src(%dma_wait3A_408 : memref<256xi32, #tpu.memory_space<hbm>>) dst(%arg12 : memref<256xi32, #tpu.memory_space<vmem>>)
      tpu.yield
    }) : () -> ()
    %dma_wait3A_305 = arith.constant 0 : i32
    %dma_wait3A_306 = arith.constant 0 : i32
    %dma_wait3A_307 = tpu.memref_slice %arg9[%dma_wait3A_305, %dma_wait3A_306] : memref<320x128xf32, #tpu.memory_space<vmem>> -> memref<320x128xf32, #tpu.memory_space<vmem>>
    %dma_wait3A_308 = arith.constant 0 : i32
    %dma_wait3A_309 = tpu.memref_slice %arg4[%add3A_292, %dma_wait3A_308] : memref<100000x128xf32, #tpu.memory_space<hbm>> -> memref<320x128xf32, #tpu.memory_space<hbm>>
    %dma_wait3A_310 = arith.constant 0 : i32
    %dma_wait3A_311 = tpu.memref_slice %arg4[%add3A_292, %dma_wait3A_310] : memref<100000x128xf32, #tpu.memory_space<hbm>> -> memref<320x128xf32, #tpu.memory_space<hbm>>
    %dma_wait3A_312 = arith.constant 0 : i32
    %dma_wait3A_313 = arith.constant 0 : i32
    %dma_wait3A_314 = tpu.memref_slice %arg9[%dma_wait3A_312, %dma_wait3A_313] : memref<320x128xf32, #tpu.memory_space<vmem>> -> memref<320x128xf32, #tpu.memory_space<vmem>>
    tpu.wait_dma2 semaphore(%arg16 : memref<!tpu.dma_semaphore, #tpu.memory_space<semaphore_mem>>) src(%dma_wait3A_314 : memref<320x128xf32, #tpu.memory_space<vmem>>) dst(%dma_wait3A_311 : memref<320x128xf32, #tpu.memory_space<hbm>>)
    %dma_start3A_315 = arith.constant 0 : i32
    %dma_start3A_316 = arith.constant 0 : i32
    %dma_start3A_317 = tpu.memref_slice %arg9[%dma_start3A_315, %dma_start3A_316] : memref<320x128xf32, #tpu.memory_space<vmem>> -> memref<256x128xf32, #tpu.memory_space<vmem>>
    %dma_start3A_318 = arith.constant 0 : i32
    %dma_start3A_319 = arith.constant 0 : i32
    %dma_start3A_320 = tpu.memref_slice %arg5[%dma_start3A_318, %dma_start3A_319] : memref<16x128xf32, #tpu.memory_space<vmem_shared>> -> memref<16x128xf32, #tpu.memory_space<vmem_shared>>
    tpu.enqueue_indirect_dma source(%dma_start3A_320 : memref<16x128xf32, #tpu.memory_space<vmem_shared>>) target(%dma_start3A_317 : memref<256x128xf32, #tpu.memory_space<vmem>>) offsets(%arg12 : memref<256xi32, #tpu.memory_space<vmem>>) semaphore(%arg13 : memref<!tpu.dma_semaphore, #tpu.memory_space<semaphore_mem>>)
    %dma_wait3A_321 = arith.constant 0 : i32
    %dma_wait3A_322 = arith.constant 0 : i32
    %dma_wait3A_323 = tpu.memref_slice %arg10[%dma_wait3A_321, %dma_wait3A_322] : memref<320x128xf32, #tpu.memory_space<vmem>> -> memref<320x128xf32, #tpu.memory_space<vmem>>
    %dma_wait3A_324 = arith.constant 0 : i32
    %dma_wait3A_325 = arith.constant 0 : i32
    %dma_wait3A_326 = tpu.memref_slice %arg5[%dma_wait3A_324, %dma_wait3A_325] : memref<16x128xf32, #tpu.memory_space<vmem_shared>> -> memref<16x128xf32, #tpu.memory_space<vmem_shared>>
    tpu.wait_indirect_dma semaphore(%arg14 : memref<!tpu.dma_semaphore, #tpu.memory_space<semaphore_mem>>) src(%dma_wait3A_326 : memref<16x128xf32, #tpu.memory_space<vmem_shared>>) dst(%dma_wait3A_323 : memref<320x128xf32, #tpu.memory_space<vmem>>)
    %add3A_327 = arith.constant 2240 : i32
    %add3A_328 = arith.addi %mul3A_44, %add3A_327 : i32
    %dma_start3A_329 = arith.constant 0 : i32
    %dma_start3A_330 = arith.constant 0 : i32
    %dma_start3A_331 = tpu.memref_slice %arg10[%dma_start3A_329, %dma_start3A_330] : memref<320x128xf32, #tpu.memory_space<vmem>> -> memref<320x128xf32, #tpu.memory_space<vmem>>
    %dma_start3A_332 = arith.constant 0 : i32
    %dma_start3A_333 = tpu.memref_slice %arg4[%add3A_328, %dma_start3A_332] : memref<100000x128xf32, #tpu.memory_space<hbm>> -> memref<320x128xf32, #tpu.memory_space<hbm>>
    %dma_start3A_334 = arith.constant 0 : i32
    %dma_start3A_335 = tpu.memref_slice %arg4[%add3A_328, %dma_start3A_334] : memref<100000x128xf32, #tpu.memory_space<hbm>> -> memref<320x128xf32, #tpu.memory_space<hbm>>
    %dma_start3A_336 = arith.constant 0 : i32
    %dma_start3A_337 = arith.constant 0 : i32
    %dma_start3A_338 = tpu.memref_slice %arg10[%dma_start3A_336, %dma_start3A_337] : memref<320x128xf32, #tpu.memory_space<vmem>> -> memref<320x128xf32, #tpu.memory_space<vmem>>
    tpu.enqueue_dma source(%dma_start3A_338 : memref<320x128xf32, #tpu.memory_space<vmem>>) target(%dma_start3A_335 : memref<320x128xf32, #tpu.memory_space<hbm>>) target_semaphore(%arg17 : memref<!tpu.dma_semaphore, #tpu.memory_space<semaphore_mem>>)
    %dma_wait3A_339 = arith.constant 0 : i32
    %dma_wait3A_340 = arith.constant 0 : i32
    %dma_wait3A_341 = tpu.memref_slice %arg11[%dma_wait3A_339, %dma_wait3A_340] : memref<320x128xf32, #tpu.memory_space<vmem>> -> memref<320x128xf32, #tpu.memory_space<vmem>>
    %dma_wait3A_342 = arith.constant 0 : i32
    %dma_wait3A_343 = arith.constant 0 : i32
    %dma_wait3A_344 = tpu.memref_slice %arg5[%dma_wait3A_342, %dma_wait3A_343] : memref<16x128xf32, #tpu.memory_space<vmem_shared>> -> memref<16x128xf32, #tpu.memory_space<vmem_shared>>
    tpu.wait_indirect_dma semaphore(%arg15 : memref<!tpu.dma_semaphore, #tpu.memory_space<semaphore_mem>>) src(%dma_wait3A_344 : memref<16x128xf32, #tpu.memory_space<vmem_shared>>) dst(%dma_wait3A_341 : memref<320x128xf32, #tpu.memory_space<vmem>>)
    %add3A_345 = arith.constant 2560 : i32
    %add3A_346 = arith.addi %mul3A_44, %add3A_345 : i32
    %dma_start3A_347 = arith.constant 0 : i32
    %dma_start3A_348 = arith.constant 0 : i32
    %dma_start3A_349 = tpu.memref_slice %arg11[%dma_start3A_347, %dma_start3A_348] : memref<320x128xf32, #tpu.memory_space<vmem>> -> memref<320x128xf32, #tpu.memory_space<vmem>>
    %dma_start3A_350 = arith.constant 0 : i32
    %dma_start3A_351 = tpu.memref_slice %arg4[%add3A_346, %dma_start3A_350] : memref<100000x128xf32, #tpu.memory_space<hbm>> -> memref<320x128xf32, #tpu.memory_space<hbm>>
    %dma_start3A_352 = arith.constant 0 : i32
    %dma_start3A_353 = tpu.memref_slice %arg4[%add3A_346, %dma_start3A_352] : memref<100000x128xf32, #tpu.memory_space<hbm>> -> memref<320x128xf32, #tpu.memory_space<hbm>>
    %dma_start3A_354 = arith.constant 0 : i32
    %dma_start3A_355 = arith.constant 0 : i32
    %dma_start3A_356 = tpu.memref_slice %arg11[%dma_start3A_354, %dma_start3A_355] : memref<320x128xf32, #tpu.memory_space<vmem>> -> memref<320x128xf32, #tpu.memory_space<vmem>>
    tpu.enqueue_dma source(%dma_start3A_356 : memref<320x128xf32, #tpu.memory_space<vmem>>) target(%dma_start3A_353 : memref<320x128xf32, #tpu.memory_space<hbm>>) target_semaphore(%arg18 : memref<!tpu.dma_semaphore, #tpu.memory_space<semaphore_mem>>)
    %dma_wait3A_357 = arith.constant 0 : i32
    %dma_wait3A_358 = arith.constant 0 : i32
    %dma_wait3A_359 = tpu.memref_slice %arg9[%dma_wait3A_357, %dma_wait3A_358] : memref<320x128xf32, #tpu.memory_space<vmem>> -> memref<256x128xf32, #tpu.memory_space<vmem>>
    %dma_wait3A_360 = arith.constant 0 : i32
    %dma_wait3A_361 = arith.constant 0 : i32
    %dma_wait3A_362 = tpu.memref_slice %arg5[%dma_wait3A_360, %dma_wait3A_361] : memref<16x128xf32, #tpu.memory_space<vmem_shared>> -> memref<16x128xf32, #tpu.memory_space<vmem_shared>>
    tpu.wait_indirect_dma semaphore(%arg13 : memref<!tpu.dma_semaphore, #tpu.memory_space<semaphore_mem>>) src(%dma_wait3A_362 : memref<16x128xf32, #tpu.memory_space<vmem_shared>>) dst(%dma_wait3A_359 : memref<256x128xf32, #tpu.memory_space<vmem>>)
    %add3A_363 = arith.constant 2880 : i32
    %add3A_364 = arith.addi %mul3A_44, %add3A_363 : i32
    %dma_start3A_365 = arith.constant 0 : i32
    %dma_start3A_366 = arith.constant 0 : i32
    %dma_start3A_367 = tpu.memref_slice %arg9[%dma_start3A_365, %dma_start3A_366] : memref<320x128xf32, #tpu.memory_space<vmem>> -> memref<256x128xf32, #tpu.memory_space<vmem>>
    %dma_start3A_368 = arith.constant 0 : i32
    %dma_start3A_369 = tpu.memref_slice %arg4[%add3A_364, %dma_start3A_368] : memref<100000x128xf32, #tpu.memory_space<hbm>> -> memref<256x128xf32, #tpu.memory_space<hbm>>
    %dma_start3A_370 = arith.constant 0 : i32
    %dma_start3A_371 = tpu.memref_slice %arg4[%add3A_364, %dma_start3A_370] : memref<100000x128xf32, #tpu.memory_space<hbm>> -> memref<256x128xf32, #tpu.memory_space<hbm>>
    %dma_start3A_372 = arith.constant 0 : i32
    %dma_start3A_373 = arith.constant 0 : i32
    %dma_start3A_374 = tpu.memref_slice %arg9[%dma_start3A_372, %dma_start3A_373] : memref<320x128xf32, #tpu.memory_space<vmem>> -> memref<256x128xf32, #tpu.memory_space<vmem>>
    tpu.enqueue_dma source(%dma_start3A_374 : memref<256x128xf32, #tpu.memory_space<vmem>>) target(%dma_start3A_371 : memref<256x128xf32, #tpu.memory_space<hbm>>) target_semaphore(%arg16 : memref<!tpu.dma_semaphore, #tpu.memory_space<semaphore_mem>>)
    %dma_wait3A_375 = arith.constant 0 : i32
    %dma_wait3A_376 = arith.constant 0 : i32
    %dma_wait3A_377 = tpu.memref_slice %arg9[%dma_wait3A_375, %dma_wait3A_376] : memref<320x128xf32, #tpu.memory_space<vmem>> -> memref<256x128xf32, #tpu.memory_space<vmem>>
    %dma_wait3A_378 = arith.constant 0 : i32
    %dma_wait3A_379 = tpu.memref_slice %arg4[%add3A_364, %dma_wait3A_378] : memref<100000x128xf32, #tpu.memory_space<hbm>> -> memref<256x128xf32, #tpu.memory_space<hbm>>
    %dma_wait3A_380 = arith.constant 0 : i32
    %dma_wait3A_381 = tpu.memref_slice %arg4[%add3A_364, %dma_wait3A_380] : memref<100000x128xf32, #tpu.memory_space<hbm>> -> memref<256x128xf32, #tpu.memory_space<hbm>>
    %dma_wait3A_382 = arith.constant 0 : i32
    %dma_wait3A_383 = arith.constant 0 : i32
    %dma_wait3A_384 = tpu.memref_slice %arg9[%dma_wait3A_382, %dma_wait3A_383] : memref<320x128xf32, #tpu.memory_space<vmem>> -> memref<256x128xf32, #tpu.memory_space<vmem>>
    tpu.wait_dma2 semaphore(%arg16 : memref<!tpu.dma_semaphore, #tpu.memory_space<semaphore_mem>>) src(%dma_wait3A_384 : memref<256x128xf32, #tpu.memory_space<vmem>>) dst(%dma_wait3A_381 : memref<256x128xf32, #tpu.memory_space<hbm>>)
    %dma_wait3A_385 = arith.constant 0 : i32
    %dma_wait3A_386 = arith.constant 0 : i32
    %dma_wait3A_387 = tpu.memref_slice %arg10[%dma_wait3A_385, %dma_wait3A_386] : memref<320x128xf32, #tpu.memory_space<vmem>> -> memref<320x128xf32, #tpu.memory_space<vmem>>
    %dma_wait3A_388 = arith.constant 0 : i32
    %dma_wait3A_389 = tpu.memref_slice %arg4[%add3A_328, %dma_wait3A_388] : memref<100000x128xf32, #tpu.memory_space<hbm>> -> memref<320x128xf32, #tpu.memory_space<hbm>>
    %dma_wait3A_390 = arith.constant 0 : i32
    %dma_wait3A_391 = tpu.memref_slice %arg4[%add3A_328, %dma_wait3A_390] : memref<100000x128xf32, #tpu.memory_space<hbm>> -> memref<320x128xf32, #tpu.memory_space<hbm>>
    %dma_wait3A_392 = arith.constant 0 : i32
    %dma_wait3A_393 = arith.constant 0 : i32
    %dma_wait3A_394 = tpu.memref_slice %arg10[%dma_wait3A_392, %dma_wait3A_393] : memref<320x128xf32, #tpu.memory_space<vmem>> -> memref<320x128xf32, #tpu.memory_space<vmem>>
    tpu.wait_dma2 semaphore(%arg17 : memref<!tpu.dma_semaphore, #tpu.memory_space<semaphore_mem>>) src(%dma_wait3A_394 : memref<320x128xf32, #tpu.memory_space<vmem>>) dst(%dma_wait3A_391 : memref<320x128xf32, #tpu.memory_space<hbm>>)
    %dma_wait3A_395 = arith.constant 0 : i32
    %dma_wait3A_396 = arith.constant 0 : i32
    %dma_wait3A_397 = tpu.memref_slice %arg11[%dma_wait3A_395, %dma_wait3A_396] : memref<320x128xf32, #tpu.memory_space<vmem>> -> memref<320x128xf32, #tpu.memory_space<vmem>>
    %dma_wait3A_398 = arith.constant 0 : i32
    %dma_wait3A_399 = tpu.memref_slice %arg4[%add3A_346, %dma_wait3A_398] : memref<100000x128xf32, #tpu.memory_space<hbm>> -> memref<320x128xf32, #tpu.memory_space<hbm>>
    %dma_wait3A_400 = arith.constant 0 : i32
    %dma_wait3A_401 = tpu.memref_slice %arg4[%add3A_346, %dma_wait3A_400] : memref<100000x128xf32, #tpu.memory_space<hbm>> -> memref<320x128xf32, #tpu.memory_space<hbm>>
    %dma_wait3A_402 = arith.constant 0 : i32
    %dma_wait3A_403 = arith.constant 0 : i32
    %dma_wait3A_404 = tpu.memref_slice %arg11[%dma_wait3A_402, %dma_wait3A_403] : memref<320x128xf32, #tpu.memory_space<vmem>> -> memref<320x128xf32, #tpu.memory_space<vmem>>
    tpu.wait_dma2 semaphore(%arg18 : memref<!tpu.dma_semaphore, #tpu.memory_space<semaphore_mem>>) src(%dma_wait3A_404 : memref<320x128xf32, #tpu.memory_space<vmem>>) dst(%dma_wait3A_401 : memref<320x128xf32, #tpu.memory_space<hbm>>)
    return
  }
}

</mosaic_0001>

<sc_bundles>
// kernel: kernel.3.cloned.1.call-start
scs
__scs_entry_jumppad:
0x0: {  	(pc) =	sbr.rel $0x88, $3  }
0x1: {  	(tag) =	ssettag $0x0;
	lr =	simm.s32 $0x1  }
0x2: {  	[smem:$0x3F9F] =	sst lr;
	_ =	strace $0xD0000000  }
0x3: {  	_ = 	snop  }
0x4: {  	_ = 	snop  }
0x5: {  	_ = 	snop  }
0x6: {  	_ = 	snop  }
0x7: {  	_ = 	snop  }
__scs_overlays_trampoline_lowered:
0x8: {  	[smem:$0x3FAE] =	sst s0  }
0x9: {  	[smem:$0x3FAF] =	sst s1  }
0xa: {  	[smem:$0x3FB0] =	sst s2  }
0xb: {  	[smem:$0x3FB1] =	sst s3  }
0xc: {  	[smem:$0x3FB2] =	sst s4  }
0xd: {  	[smem:$0x3FB3] =	sst s5  }
0xe: {  	[smem:$0x3FB4] =	sst s6  }
0xf: {  	[smem:$0x3FB5] =	sst s7  }
0x10: {  	[smem:$0x3FB6] =	sst s8  }
0x11: {  	[smem:$0x3FB7] =	sst s9;
	s0 =	simm.s32 @!p0 $0x0  }
0x12: {  	s1 =	sld [smem:$0x3F9D];
	s0 =	simm.s32 @p0 $0x1  }
0x13: {  	[smem:$0x3FB8] =	sst s0;
	s0 =	simm.s32 @!p1 $0x0  }
0x14: {  	s2 =	sld [smem:$0x3F9C];
	s0 =	simm.s32 @p1 $0x1  }
0x15: {  	[smem:$0x3FB9] =	sst s0;
	s0 =	simm.s32 @!p2 $0x0  }
0x16: {  	s3 =	sld [smem:$0x3FDB];
	s0 =	simm.s32 @p2 $0x1  }
0x17: {  	s4 =	simm.s32 $0x1BF5;
	[smem:$0x3FBB] =	sst s0  }
0x18: {  	s0 =	sld [smem:$0x3F9E];
	_ =	swait.ge [sflag:s4], $0x0  }
0x19: {  	s7 =	sld [smem:$0x3F9F]  }
0x1a: {  	s8 =	sadd.s32 $0xFFFFE003, lr  }
0x1b: {  	s9 =	sadd.s32 $0xFFFFFEF7, lr;
	s5 =	simm.s32 $0xFFFFFFFF;
	p2 =	slt.u32 s8, $0xFFFFF086  }
0x1c: {  	p1 =	slt.u32 s9, $0xF7A;
	s5 =	simm.s32 @!p2 $0x0  }
0x1d: {  	s5 =	simm.s32 @p1 $0x1;
	p0 =	seq.s32 s7, s2  }
0x1e: {  	s7 =	smul.u32 @!p0 $0xF7A, s2;
	p2 =	seq.s32 @!p0 s5, $0x0  }
0x1f: {  	s9 =	smul.u32 $0xF7A, s1;
	s8 =	simm.s32 @!p0 $0x1BF5;
	p2 =	por !p2, p0  }
0x20: {  	[sflag:s8] =	ssyncset.s32 @!p0 $0xFFFFF086;
	s6 =	sadd.s32 @!p0 s3, s7;
	s7 =	simm.s32 @!p0 $0x108  }
0x21: {  	s3 =	sadd.s32 s3, s9;
	s6 =	sadd.s32 @!p0 $0x88, s6;
	s7 =	simm.s32 @p2 $0x1082  }
0x22: {  	[simem:s7], [sflag:s8] =	dma.local @!p0 [hbm:s6], $0xF7A  }
0x23: {  	s9 =	sor.u32 $0xD0000000, s2;
	s6 =	simm.s32 $0x108;
	_ =	swait.ge @!p0 [sflag:s8], $0x0  }
0x24: {  	s3 =	sadd.s32 $0x88, s3;
	s6 =	simm.s32 @!p1 $0x1082;
	[sflag:s4] =	ssyncset.s32 $0xFFFFF086  }
0x25: {  	[simem:s6], [sflag:s4] =	dma.local [hbm:s3], $0xF7A  }
0x26: {  	[smem:$0x3F9F] =	sst s1;
	(tag) =	ssettag s2;
	_ =	strace s9  }
0x27: {  	s1 =	sld [smem:$0x3FAF]  }
0x28: {  	s2 =	sld [smem:$0x3FB0]  }
0x29: {  	s4 =	sld [smem:$0x3FB2]  }
0x2a: {  	p0 =	seq.s32 s5, $0x0;
	s5 =	sld [smem:$0x3FB3]  }
0x2b: {  	s6 =	sld [smem:$0x3FB4]  }
0x2c: {  	s7 =	sld [smem:$0x3FB5]  }
0x2d: {  	s3 =	simm.s32 $0x108;
	s8 =	sld [smem:$0x3FB6]  }
0x2e: {  	s3 =	simm.s32 @!p0 $0x1082;
	s9 =	sld [smem:$0x3FB7]  }
0x2f: {  	lr =	sadd.s32 s0, s3;
	s0 =	sld [smem:$0x3FAE]  }
0x30: {  	s3 =	sld [smem:$0x3FB1]  }
0x31: {  	[smem:$0x3FBA] =	sst s10  }
0x32: {  	s10 =	sld [smem:$0x3FB8];
	_ =	sdelay $0x3  }
0x33: {  	p0 =	seq.s32 s10, $0x1;
	s10 =	sld [smem:$0x3FBA];
	_ =	sdelay $0x3  }
0x34: {  	[smem:$0x3FBA] =	sst s10  }
0x35: {  	s10 =	sld [smem:$0x3FB9];
	_ =	sdelay $0x3  }
0x36: {  	p1 =	seq.s32 s10, $0x1;
	s10 =	sld [smem:$0x3FBA];
	_ =	sdelay $0x3  }
0x37: {  	[smem:$0x3FBA] =	sst s10  }
0x38: {  	s10 =	sld [smem:$0x3FBB]  }
0x39: {  	_ = 	snop;
	(pc) =	sbr.ind lr, $3  }
0x3a: {  	_ = 	snop  }
0x3b: {  	_ = 	snop  }
0x3c: {  	p2 =	seq.s32 s10, $0x1;
	s10 =	sld [smem:$0x3FBA]  }
0x3d: {  	_ =	shalt  }
0x3e: {  	_ =	shalt  }
0x3f: {  	_ =	shalt  }
0x40: {  	_ =	shalt  }
0x41: {  	_ =	shalt  }
0x42: {  	_ =	shalt  }
0x43: {  	_ =	shalt  }
0x44: {  	_ =	shalt  }
0x45: {  	_ =	shalt  }
0x46: {  	_ =	shalt  }
0x47: {  	_ =	shalt  }
0x48: {  	_ =	shalt  }
0x49: {  	_ =	shalt  }
0x4a: {  	_ =	shalt  }
0x4b: {  	_ =	shalt  }
0x4c: {  	_ =	shalt  }
0x4d: {  	_ =	shalt  }
0x4e: {  	_ =	shalt  }
0x4f: {  	_ =	shalt  }
0x50: {  	_ =	shalt  }
0x51: {  	_ =	shalt  }
0x52: {  	_ =	shalt  }
0x53: {  	_ =	shalt  }
0x54: {  	_ =	shalt  }
0x55: {  	_ =	shalt  }
0x56: {  	_ =	shalt  }
0x57: {  	_ =	shalt  }
0x58: {  	_ =	shalt  }
0x59: {  	_ =	shalt  }
0x5a: {  	_ =	shalt  }
0x5b: {  	_ =	shalt  }
0x5c: {  	_ =	shalt  }
0x5d: {  	_ =	shalt  }
0x5e: {  	_ =	shalt  }
0x5f: {  	_ =	shalt  }
0x60: {  	_ =	shalt  }
0x61: {  	_ =	shalt  }
0x62: {  	_ =	shalt  }
0x63: {  	_ =	shalt  }
0x64: {  	_ =	shalt  }
0x65: {  	_ =	shalt  }
0x66: {  	_ =	shalt  }
0x67: {  	_ =	shalt  }
0x68: {  	_ =	shalt  }
0x69: {  	_ =	shalt  }
0x6a: {  	_ =	shalt  }
0x6b: {  	_ =	shalt  }
0x6c: {  	_ =	shalt  }
0x6d: {  	_ =	shalt  }
0x6e: {  	_ =	shalt  }
0x6f: {  	_ =	shalt  }
0x70: {  	_ =	shalt  }
0x71: {  	_ =	shalt  }
0x72: {  	_ =	shalt  }
0x73: {  	_ =	shalt  }
0x74: {  	_ =	shalt  }
0x75: {  	_ =	shalt  }
0x76: {  	_ =	shalt  }
0x77: {  	_ =	shalt  }
0x78: {  	_ =	shalt  }
0x79: {  	_ =	shalt  }
0x7a: {  	_ =	shalt  }
0x7b: {  	_ =	shalt  }
0x7c: {  	_ =	shalt  }
0x7d: {  	_ =	shalt  }
0x7e: {  	_ =	shalt  }
0x7f: {  	_ =	shalt  }
0x80: {  	_ =	shalt  }
0x81: {  	_ =	shalt  }
0x82: {  	_ =	shalt  }
0x83: {  	_ =	shalt  }
0x84: {  	_ =	shalt  }
0x85: {  	_ =	shalt  }
0x86: {  	_ =	shalt  }
0x87: {  	_ =	shalt  }
.Lfunc_end0:
.L_simem_size_0:
called_computation_lowered:
.L_overlay_start_0:
0x88: {  	s2 =	sld [smem:$0x3FD9]  }
0x89: {  	s3 =	sld [smem:$0x3FFE];
	_ =	sdelay $0x1  }
0x8a: {  	s1 =	srdreg.scid  }
0x8b: {  	s0 =	sand.u32 $0x1, s1  }
0x8c: {  	s15 =	sshll.u32 s0, $0xA;
	s2 =	sadd.s32 s3, s2  }
0x8d: {  	s2 =	sadd.s32 s2, s15  }
0x8e: {  	[smem:$0x3FC6] =	sst s2  }
0x8f: {  	_ = 	snop  }
0x90: {  	s2 =	sld [smem:$0x3FD0];
	_ =	sdelay $0x1  }
0x91: {  	s16 =	sld [smem:$0x3FC9]  }
0x92: {  	s5 =	simm.s32 $0xA;
	s6 =	simm.s32 $0x10;
	s4 =	sld [smem:$0x3FC8]  }
0x93: {  	[smem:s6], [sflag:s5] =	dma.local [hbm:s2], $0x1  }
0x94: {  	_ =	swait.eq [sflag:s5], $0x1  }
0x95: {  	[sflag:s5] =	ssyncset.done $0x0  }
0x96: {  	[sflag:s5] =	ssyncadd.s32 $0xFFFFFFFF  }
0x97: {  	s17 =	sld [smem:$0x10];
	(tm) =	ssettm $0x1  }
0x98: {  	s18 =	sld [smem:$0x3FFB];
	_ =	sdelay $0x3  }
0x99: {  	_ =	strace s18  }
0x9a: {  	s5 =	sld [smem:$0x3FFC];
	_ =	sdelay $0x3  }
0x9b: {  	_ =	strace s5  }
0x9c: {  	s5 =	sld [smem:$0x3FFD];
	_ =	sdelay $0x3  }
0x9d: {  	_ =	strace s5  }
0x9e: {  	_ =	strace $0x8FFFFFFF  }
0x9f: {  	s19 =	sld [smem:$0x3FDB];
	_ =	sdelay $0x1  }
0xa0: {  	s20 =	simm.s32 $_scs_section_size  }
0xa1: {  	s7 =	simm.s32 $_size__tile_overlayer_lowered;
	s8 =	simm.s32 $_tile_overlayer_lowered  }
0xa2: {  	s23 =	simm.s32 $0x1BFF;
	s22 =	sshll.u32 s8, $0x1;
	s5 =	sadd.s32 s20, s19  }
0xa3: {  	s9 =	simm.s32 $0x0;
	s21 =	sshll.u32 s7, $0x1;
	s7 =	sadd.s32 s22, s5  }
0xa4: {  	[timem:s9], [sflag:s23] =	dma.local [hbm:s7], s21  }
0xa5: {  	_ =	swait.ge [sflag:s23], s21  }
0xa6: {  	s6 =	ssub.s32 $0x0, s21;
	[sflag:s23] =	ssyncset.done $0x0  }
0xa7: {  	[sflag:s23] =	ssyncadd.s32 s6;
	_ =	sdelay $0x1  }
0xa8: {  	s24 =	simm.s32 $0x1B8B  }
0xa9: {  	_ =	swait.ge [sflag:s24], $0x1  }
0xaa: {  	[sflag:s24] =	ssyncset.done $0x0  }
0xab: {  	s25 =	simm.s32 $0x1B8E;
	[sflag:s24] =	ssyncadd.s32 $0xFFFFFFFF  }
0xac: {  	s26 =	simm.s32 $execute0_lowered;
	[smem:$0x3FD2] =	sst s25  }
0xad: {  	s6 =	sshll.u32 s26, $0x1;
	_ =	strace $0x80000046;
	[dreg:$0x1] =	wrdreg $0xFFFFFFFF  }
0xae: {  	s28 =	simm.s32 $_size_execute0_lowered;
	s5 =	sadd.s32 s5, s6;
	[dreg:$0x0] =	wrdreg $0x0  }
0xaf: {  	s6 =	sshll.u32 s28, $0x1;
	[dreg:$0x2] =	wrdreg s5  }
0xb0: {  	[dreg:$0x3] =	wrdreg s6  }
0xb1: {  	[dreg:$0x4] =	wrdreg $0xC0  }
0xb2: {  	_ =	task [dreg:s9], $0x5FFFF  }
0xb3: {  	[dreg:$0x1] =	wrdreg $0xFFFFFFFF  }
0xb4: {  	[dreg:$0x0] =	wrdreg $0x60  }
0xb5: {  	[dreg:$0x2] =	wrdreg s16  }
0xb6: {  	[dreg:$0x3] =	wrdreg s4  }
0xb7: {  	[dreg:$0x4] =	wrdreg s17  }
0xb8: {  	[dreg:$0x5] =	wrdreg $0x0  }
0xb9: {  	[dreg:$0x6] =	wrdreg $0x9  }
0xba: {  	_ =	task.clear_ibuf [dreg:s9], $0x7FFFF;
	_ =	strace $0x90000046  }
0xbb: {  	s29 =	simm.s32 $0x9;
	_ =	strace $0x80000048  }
0xbc: {  	_ =	swait.ge [sflag:s29], $0x1  }
0xbd: {  	[sflag:s29] =	ssyncadd.s32 $0xFFFFFFFF  }
0xbe: {  	_ =	strace $0x90000048  }
0xbf: {  	_ =	sfence  }
0xc0: {  	s30 =	sld [smem:$0x0];
	_ =	sdelay $0x2  }
0xc1: {  	s31 =	sshll.u32 s1, $0xD;
	s1 =	sshrl.u32 s1, $0x2  }
0xc2: {  	s3 =	sand.u32 $0x4000, s31;
	s1 =	sadd.s32 s1, s30  }
0xc3: {  	s0 =	sor.u32 s3, s0;
	s1 =	sshll.u32 s1, $0x11  }
0xc4: {  	s0 =	sor.u32 s1, s0  }
0xc5: {  	s0 =	sadd.s32 $0x8F2B, s0  }
0xc6: {  	[sflag:s0] =	ssyncadd.remote.s32 $0x1  }
0xc7: {  	_ =	sfence.sel $0xFFFF  }
0xc8: {  	[dreg:$0x0] =	wrdreg $0xFFFFFFFF;
	(pc) =	sbr.abs _section_cstart, $3  }
0xc9: {  	[dreg:$0x1] =	wrdreg $0xFFFFFFFF  }
0xca: {  	_ =	task.clear_ibuf [dreg:s9], $0x2FFFF;
	_ =	strace $0x9FFFFFFF  }
0xcb: {  	(tm) =	ssettm $0x7FFFFFFF  }
tec
execute0_lowered:
.L_overlay_start_1:
0x0: {  	(tag) =	ssettag $0x1  }
0x1: {  	s0 =	srdreg.scid;
	s7 =	stileid.u32  }
0x2: {  	s0 =	sand.u32 $0x1, s0;
	s1 =	sshll.u32 s7, $0x1  }
0x3: {  	s5 =	rddreg [dreg:$0x0];
	s1 =	sor.u32 s0, s1  }
0x4: {  	s4 =	rddreg [dreg:$0x1];
	s3 =	smul.u32 $0x17A60, s1  }
0x5: {  	s29 =	rddreg [dreg:$0x4]  }
0x6: {  	s6 =	simm.s32 $0x1;
	[dreg:$0x5] =	wrdreg s4;
	s2 =	smulhi.u32 $0x8421085, s3  }
0x7: {  	s4 =	rddreg [dreg:$0x2];
	s0 =	ssub.s32 $0x2, s0;
	p0 =	seq.s32 s1, $0x0  }
0x8: {  	s1 =	simm.s32 $0x0;
	s21 =	sshrl.u32 s0, $0x1;
	s2 =	sand.u32 $0x7, s2  }
0x9: {  	[smem:$0x7FF] =	sst s1;
	s0 =	ssub.s32 s0, s21;
	p1 =	sne.s32 s2, $0x0  }
0xa: {  	s3 =	smulhi.u32 $0x1084211, s3;
	s0 =	smax.u32 s0, $0x1;
	p0 =	por !p0, !p1  }
0xb: {  	s2 =	rddreg [dreg:$0x3];
	_ =	strace $0x80000047;
	p0 =	por !p0, !p0  }
0xc: {  	p1 =	por $0x0, $0x0;
	s6 =	simm.s32 @!p0 $0x0;
	p0 =	sne.s32 s7, $0x0  }
0xd: {  	s7 =	simm.s32 $0x500;
	s3 =	ssub.s32 s3, s6;
	s28 =	sshrl.u32 @!p0 s2, $0x3  }
0xe: {  	s6 =	sshll.u32 s3, $0x3;
	s8 =	sand.u32 $0x1FFFFFFF, s3;
	s3 =	sshll.u32 s3, $0x7  }
0xf: {  	s8 =	sadd.s32 s5, s8;
	s9 =	sadd.s32 $0x140, s6;
	s10 =	sadd.s32 $0x280, s6  }
0x10: {  	s3 =	sand.u32 $0x1FFFFF80, s3;
	s20 =	sadd.s32 $0x3C0, s6;
	s12 =	sadd.s32 $0x500, s6  }
0x11: {  	s31 =	sadd.s32 $0x640, s6;
	s13 =	sadd.s32 $0x8C0, s6;
	s14 =	sadd.s32 $0xB40, s6  }
0x12: {  	[dreg:$0x6] =	wrdreg s8;
	s18 =	sshrl.u32 s9, $0x3;
	s11 =	sshrl.u32 s10, $0x3  }
0x13: {  	s3 =	sadd.s32 s4, s3;
	s22 =	sshrl.u32 s20, $0x3;
	s9 =	sshll.u32 s9, $0x4  }
0x14: {  	s24 =	sshrl.u32 s12, $0x3;
	s26 =	sshll.u32 s10, $0x4;
	s10 =	sshrl.u32 s31, $0x3  }
0x15: {  	s21 =	sshll.u32 s31, $0x4;
	s8 =	sadd.s32 s5, s18;
	[dreg:$0x9] =	wrdreg s3  }
0x16: {  	s31 =	sshll.u32 s14, $0x4;
	s19 =	sadd.s32 s5, s11;
	[dreg:$0x7] =	wrdreg s8  }
0x17: {  	s3 =	sadd.s32 s5, s22;
	s23 =	sadd.s32 s4, s9;
	[dreg:$0x8] =	wrdreg s19  }
0x18: {  	s25 =	sadd.s32 s5, s24;
	s30 =	sadd.s32 s4, s26;
	[dreg:$0xa] =	wrdreg s3  }
0x19: {  	s11 =	sadd.s32 $0x780, s6;
	s22 =	sadd.s32 $0xA00, s6;
	[dreg:$0xb] =	wrdreg s23  }
0x1a: {  	s15 =	sadd.s32 s4, s21;
	s26 =	sshll.u32 s13, $0x4;
	[dreg:$0xc] =	wrdreg s25  }
0x1b: {  	s21 =	simm.s32 $0x140;
	s9 =	simm.s32 $0x5;
	[dreg:$0xd] =	wrdreg s30  }
0x1c: {  	s3 =	sadd.s32 s5, s10;
	s8 =	sshll.u32 s20, $0x4;
	s17 =	sshrl.u32 s11, $0x3  }
0x1d: {  	s19 =	sshll.u32 s12, $0x4;
	s20 =	sshrl.u32 s13, $0x3;
	s23 =	sshrl.u32 s22, $0x3  }
0x1e: {  	s24 =	sshll.u32 s11, $0x4;
	s25 =	sshrl.u32 s14, $0x3;
	s6 =	sadd.s32 s4, s26  }
0x1f: {  	s30 =	sshll.u32 s22, $0x4;
	s26 =	simm.s32 $0x80;
	s14 =	simm.s32 $0xA500  }
0x20: {  	s13 =	simm.s32 $0x14500;
	s10 =	simm.s32 $0x4;
	s22 =	simm.s32 $0x1E500  }
0x21: {  	[dreg:$0xe] =	wrdreg s3;
	s16 =	sadd.s32 s4, s8;
	s18 =	sadd.s32 s5, s17  }
0x22: {  	[dreg:$0x10] =	wrdreg s18;
	s18 =	sadd.s32 s5, s23;
	s23 =	sadd.s32 $0xFFFFFFFF, s0  }
0x23: {  	s8 =	sadd.s32 s4, s19;
	s3 =	simm.s32 $0x1;
	p2 =	sne.s32 s23, $0x0  }
.Ltmp0:
0x24: {  	s20 =	sadd.s32 s5, s20;
	s11 =	sadd.s32 s4, s24;
	(pc) =	sbr.rel @!p2 .LBB2_1-.Ltmp0, $4  }
0x25: {  	s12 =	sadd.s32 s5, s25;
	s17 =	simm.s32 $0x7;
	s25 =	simm.s32 $0x200  }
0x26: {  	s24 =	simm.s32 $0x380;
	s19 =	simm.s32 $0x2;
	[dreg:$0xf] =	wrdreg s16  }
0x27: {  	[dreg:$0x11] =	wrdreg s8;
	s5 =	sadd.s32 s4, s30;
	s4 =	sadd.s32 s4, s31  }
0x28: {  	s16 =	simm.s32 $0x3;
	s8 =	simm.s32 $0x6;
	s0 =	rddreg [dreg:$0x5]  }
0x29: {  	s29 =	simm.s32 @!p0 $0x1C07;
	s30 =	simm.s32 @!p0 $0x7  }
0x2a: {  	[spmem:s28], [sflag:s29] =	dma.local @!p0 [hbm:s0], $0x100  }
0x2b: {  	_ =	swait.ge @!p0 [sflag:s30], $0x100  }
0x2c: {  	[sflag:s30] =	ssyncset.done @!p0 $0x0  }
0x2d: {  	[sflag:s30] =	ssyncadd.s32 @!p0 $0xFFFFFF00  }
0x2e: {  	[bflag:$0x0] =	sbarrier.arrive $0xFFFF  }
0x2f: {  	s0 =	rddreg [dreg:$0x6]  }
0x30: {  	[tilespmem:s26], [sflag:$0x7] =	stream.linear.gather [hbm4b:s0+s1], $0x140, $0x38;
	[tilespmem:$0x1E600] =	vst v63  }
0x31: {  	_ =	swait.ge [sflag:s17], $0x140  }
0x32: {  	[sflag:s17] =	ssyncset.done $0x0  }
0x33: {  	[sflag:s17] =	ssyncadd.s32 $0xFFFFFEC0  }
0x34: {  	[tilespmem:s7], [sflag:$0x1] =	stream.indirect.gather [spmem:s2], $0x80, s26, s21, $0xb8;
	[tilespmem:$0x1E600] =	vst v63  }
0x35: {  	s0 =	rddreg [dreg:$0x7]  }
0x36: {  	[tilespmem:s25], [sflag:$0x7] =	stream.linear.gather [hbm4b:s0+s1], $0x140, $0x38;
	[tilespmem:$0x1E600] =	vst v63  }
0x37: {  	_ =	swait.ge [sflag:s17], $0x140  }
0x38: {  	[sflag:s17] =	ssyncset.done $0x0  }
0x39: {  	[sflag:s17] =	ssyncadd.s32 $0xFFFFFEC0  }
0x3a: {  	[tilespmem:s14], [sflag:$0x2] =	stream.indirect.gather [spmem:s2], $0x80, s25, s21, $0xb8;
	[tilespmem:$0x1E600] =	vst v63  }
0x3b: {  	s0 =	rddreg [dreg:$0x8]  }
0x3c: {  	[tilespmem:s24], [sflag:$0x7] =	stream.linear.gather [hbm4b:s0+s1], $0x140, $0x38;
	[tilespmem:$0x1E600] =	vst v63  }
0x3d: {  	_ =	swait.ge [sflag:s17], $0x140  }
0x3e: {  	[sflag:s17] =	ssyncset.done $0x0  }
0x3f: {  	[sflag:s17] =	ssyncadd.s32 $0xFFFFFEC0  }
0x40: {  	[tilespmem:s13], [sflag:$0x3] =	stream.indirect.gather [spmem:s2], $0x80, s24, s21, $0xb8;
	[tilespmem:$0x1E600] =	vst v63  }
0x41: {  	_ =	swait.ge [sflag:s3], $0xA000  }
0x42: {  	[sflag:s3] =	ssyncset.done $0x0  }
0x43: {  	s0 =	rddreg [dreg:$0x9];
	[sflag:s3] =	ssyncadd.s32 $0xFFFF6000  }
0x44: {  	[hbm4b:s0+s1] =	stream.linear.scatter [tilespmem:s7], [sflag:$0x4], $0xA000, $0x38;
	[tilespmem:$0x1E600] =	vst v63  }
0x45: {  	s31 =	rddreg [dreg:$0xa]  }
0x46: {  	[tilespmem:s26], [sflag:$0x7] =	stream.linear.gather [hbm4b:s31+s1], $0x140, $0x38;
	[tilespmem:$0x1E600] =	vst v63  }
0x47: {  	_ =	swait.ge [sflag:s17], $0x140  }
0x48: {  	[sflag:s17] =	ssyncset.done $0x0  }
0x49: {  	[sflag:s17] =	ssyncadd.s32 $0xFFFFFEC0  }
0x4a: {  	_ =	swait.ge [sflag:s10], $0xA000  }
0x4b: {  	[sflag:s10] =	ssyncset.done $0x0  }
0x4c: {  	[sflag:s10] =	ssyncadd.s32 $0xFFFF6000  }
0x4d: {  	[tilespmem:s7], [sflag:$0x1] =	stream.indirect.gather [spmem:s2], $0x80, s26, s21, $0xb8;
	[tilespmem:$0x1E600] =	vst v63  }
0x4e: {  	_ =	swait.ge [sflag:s19], $0xA000  }
0x4f: {  	[sflag:s19] =	ssyncset.done $0x0  }
0x50: {  	s0 =	rddreg [dreg:$0xb];
	[sflag:s19] =	ssyncadd.s32 $0xFFFF6000  }
0x51: {  	[hbm4b:s0+s1] =	stream.linear.scatter [tilespmem:s14], [sflag:$0x5], $0xA000, $0x38;
	[tilespmem:$0x1E600] =	vst v63  }
0x52: {  	s31 =	rddreg [dreg:$0xc]  }
0x53: {  	[tilespmem:s25], [sflag:$0x7] =	stream.linear.gather [hbm4b:s31+s1], $0x140, $0x38;
	[tilespmem:$0x1E600] =	vst v63  }
0x54: {  	_ =	swait.ge [sflag:s17], $0x140  }
0x55: {  	[sflag:s17] =	ssyncset.done $0x0  }
0x56: {  	[sflag:s17] =	ssyncadd.s32 $0xFFFFFEC0  }
0x57: {  	_ =	swait.ge [sflag:s9], $0xA000  }
0x58: {  	[sflag:s9] =	ssyncset.done $0x0  }
0x59: {  	[sflag:s9] =	ssyncadd.s32 $0xFFFF6000  }
0x5a: {  	[tilespmem:s14], [sflag:$0x2] =	stream.indirect.gather [spmem:s2], $0x80, s25, s21, $0xb8;
	[tilespmem:$0x1E600] =	vst v63  }
0x5b: {  	_ =	swait.ge [sflag:s16], $0xA000  }
0x5c: {  	[sflag:s16] =	ssyncset.done $0x0  }
0x5d: {  	s0 =	rddreg [dreg:$0xd];
	[sflag:s16] =	ssyncadd.s32 $0xFFFF6000  }
0x5e: {  	[hbm4b:s0+s1] =	stream.linear.scatter [tilespmem:s13], [sflag:$0x6], $0xA000, $0x38;
	[tilespmem:$0x1E600] =	vst v63  }
0x5f: {  	s31 =	rddreg [dreg:$0xe]  }
0x60: {  	[tilespmem:s24], [sflag:$0x7] =	stream.linear.gather [hbm4b:s31+s1], $0x140, $0x38;
	[tilespmem:$0x1E600] =	vst v63  }
0x61: {  	_ =	swait.ge [sflag:s17], $0x140  }
0x62: {  	[sflag:s17] =	ssyncset.done $0x0  }
0x63: {  	[sflag:s17] =	ssyncadd.s32 $0xFFFFFEC0  }
0x64: {  	_ =	swait.ge [sflag:s8], $0xA000  }
0x65: {  	[sflag:s8] =	ssyncset.done $0x0  }
0x66: {  	[sflag:s8] =	ssyncadd.s32 $0xFFFF6000  }
0x67: {  	[tilespmem:s13], [sflag:$0x3] =	stream.indirect.gather [spmem:s2], $0x80, s24, s21, $0xb8;
	[tilespmem:$0x1E600] =	vst v63  }
0x68: {  	_ =	swait.ge [sflag:s3], $0xA000  }
0x69: {  	[sflag:s3] =	ssyncset.done $0x0  }
0x6a: {  	s0 =	rddreg [dreg:$0xf];
	[sflag:s3] =	ssyncadd.s32 $0xFFFF6000  }
0x6b: {  	[hbm4b:s0+s1] =	stream.linear.scatter [tilespmem:s7], [sflag:$0x4], $0xA000, $0x38;
	[tilespmem:$0x1E600] =	vst v63  }
0x6c: {  	s31 =	rddreg [dreg:$0x10]  }
0x6d: {  	[tilespmem:s26], [sflag:$0x7] =	stream.linear.gather [hbm4b:s31+s1], $0x140, $0x38;
	[tilespmem:$0x1E600] =	vst v63  }
0x6e: {  	_ =	swait.ge [sflag:s17], $0x140  }
0x6f: {  	[sflag:s17] =	ssyncset.done $0x0  }
0x70: {  	[sflag:s17] =	ssyncadd.s32 $0xFFFFFEC0  }
0x71: {  	_ =	swait.ge [sflag:s10], $0xA000  }
0x72: {  	[sflag:s10] =	ssyncset.done $0x0  }
0x73: {  	[sflag:s10] =	ssyncadd.s32 $0xFFFF6000  }
0x74: {  	[tilespmem:s7], [sflag:$0x1] =	stream.indirect.gather [spmem:s2], $0x80, s26, s21, $0xb8;
	[tilespmem:$0x1E600] =	vst v63  }
0x75: {  	_ =	swait.ge [sflag:s19], $0xA000  }
0x76: {  	[sflag:s19] =	ssyncset.done $0x0  }
0x77: {  	s0 =	rddreg [dreg:$0x11];
	[sflag:s19] =	ssyncadd.s32 $0xFFFF6000  }
0x78: {  	[hbm4b:s0+s1] =	stream.linear.scatter [tilespmem:s14], [sflag:$0x5], $0xA000, $0x38;
	[tilespmem:$0x1E600] =	vst v63  }
0x79: {  	_ = 	snop  }
0x7a: {  	[tilespmem:s25], [sflag:$0x7] =	stream.linear.gather [hbm4b:s20+s1], $0x140, $0x38;
	[tilespmem:$0x1E600] =	vst v63  }
0x7b: {  	_ =	swait.ge [sflag:s17], $0x140  }
0x7c: {  	[sflag:s17] =	ssyncset.done $0x0  }
0x7d: {  	[sflag:s17] =	ssyncadd.s32 $0xFFFFFEC0  }
0x7e: {  	_ =	swait.ge [sflag:s9], $0xA000  }
0x7f: {  	[sflag:s9] =	ssyncset.done $0x0  }
0x80: {  	[sflag:s9] =	ssyncadd.s32 $0xFFFF6000  }
0x81: {  	[tilespmem:s14], [sflag:$0x2] =	stream.indirect.gather [spmem:s2], $0x80, s25, s21, $0xb8;
	[tilespmem:$0x1E600] =	vst v63  }
0x82: {  	_ =	swait.ge [sflag:s16], $0xA000  }
0x83: {  	[sflag:s16] =	ssyncset.done $0x0  }
0x84: {  	[sflag:s16] =	ssyncadd.s32 $0xFFFF6000  }
0x85: {  	[hbm4b:s15+s1] =	stream.linear.scatter [tilespmem:s13], [sflag:$0x6], $0xA000, $0x38;
	[tilespmem:$0x1E600] =	vst v63  }
0x86: {  	_ = 	snop  }
0x87: {  	[tilespmem:s24], [sflag:$0x7] =	stream.linear.gather [hbm4b:s18+s1], $0x140, $0x38;
	[tilespmem:$0x1E600] =	vst v63  }
0x88: {  	_ =	swait.ge [sflag:s17], $0x140  }
0x89: {  	[sflag:s17] =	ssyncset.done $0x0  }
0x8a: {  	[sflag:s17] =	ssyncadd.s32 $0xFFFFFEC0  }
0x8b: {  	_ =	swait.ge [sflag:s8], $0xA000  }
0x8c: {  	[sflag:s8] =	ssyncset.done $0x0  }
0x8d: {  	[sflag:s8] =	ssyncadd.s32 $0xFFFF6000  }
0x8e: {  	[tilespmem:s13], [sflag:$0x3] =	stream.indirect.gather [spmem:s2], $0x80, s24, s21, $0xb8;
	[tilespmem:$0x1E600] =	vst v63  }
0x8f: {  	_ =	swait.ge [sflag:s3], $0xA000  }
0x90: {  	[sflag:s3] =	ssyncset.done $0x0  }
0x91: {  	[sflag:s3] =	ssyncadd.s32 $0xFFFF6000  }
0x92: {  	[hbm4b:s11+s1] =	stream.linear.scatter [tilespmem:s7], [sflag:$0x4], $0xA000, $0x38;
	[tilespmem:$0x1E600] =	vst v63  }
0x93: {  	_ = 	snop  }
0x94: {  	[tilespmem:s22], [sflag:$0x7] =	stream.linear.gather [hbm4b:s12+s1], $0x100, $0x38;
	[tilespmem:$0x1E600] =	vst v63  }
0x95: {  	_ =	swait.ge [sflag:s17], $0x100  }
0x96: {  	[sflag:s17] =	ssyncset.done $0x0  }
0x97: {  	[sflag:s17] =	ssyncadd.s32 $0xFFFFFF00  }
0x98: {  	_ =	swait.ge [sflag:s10], $0xA000  }
0x99: {  	[sflag:s10] =	ssyncset.done $0x0  }
0x9a: {  	s0 =	simm.s32 $0x100;
	[sflag:s10] =	ssyncadd.s32 $0xFFFF6000  }
0x9b: {  	[tilespmem:s7], [sflag:$0x1] =	stream.indirect.gather [spmem:s2], $0x80, s22, s0, $0xb8;
	[tilespmem:$0x1E600] =	vst v63  }
0x9c: {  	_ =	swait.ge [sflag:s19], $0xA000  }
0x9d: {  	[sflag:s19] =	ssyncset.done $0x0  }
0x9e: {  	[sflag:s19] =	ssyncadd.s32 $0xFFFF6000  }
0x9f: {  	[hbm4b:s6+s1] =	stream.linear.scatter [tilespmem:s14], [sflag:$0x5], $0xA000, $0x38;
	[tilespmem:$0x1E600] =	vst v63  }
0xa0: {  	_ =	swait.ge [sflag:s16], $0xA000  }
0xa1: {  	[sflag:s16] =	ssyncset.done $0x0  }
0xa2: {  	[sflag:s16] =	ssyncadd.s32 $0xFFFF6000  }
0xa3: {  	[hbm4b:s5+s1] =	stream.linear.scatter [tilespmem:s13], [sflag:$0x6], $0xA000, $0x38;
	[tilespmem:$0x1E600] =	vst v63  }
0xa4: {  	_ =	swait.ge [sflag:s3], $0x8000  }
0xa5: {  	[sflag:s3] =	ssyncset.done $0x0  }
0xa6: {  	[sflag:s3] =	ssyncadd.s32 $0xFFFF8000  }
0xa7: {  	[hbm4b:s4+s1] =	stream.linear.scatter [tilespmem:s7], [sflag:$0x4], $0x8000, $0x38;
	[tilespmem:$0x1E600] =	vst v63  }
0xa8: {  	_ =	swait.ge [sflag:s10], $0x8000  }
0xa9: {  	s31 =	sadd.s32 $0xFFFFFFFF, s23;
	[sflag:s10] =	ssyncset.done $0x0  }
0xaa: {  	p2 =	sne.s32 s31, $0x0;
	[sflag:s10] =	ssyncadd.s32 $0xFFFF8000  }
.Ltmp1:
0xab: {  	_ =	swait.ge [sflag:s9], $0xA000;
	(pc) =	sbr.rel @!p2 .LBB2_3-.Ltmp1, $4  }
0xac: {  	[sflag:s9] =	ssyncset.done $0x0  }
0xad: {  	[sflag:s9] =	ssyncadd.s32 $0xFFFF6000  }
0xae: {  	_ =	swait.ge [sflag:s8], $0xA000  }
0xaf: {  	p1 =	por $0x1, $0x1;
	s0 =	rddreg [dreg:$0x5];
	[sflag:s8] =	ssyncset.done $0x0  }
.LBB2_4:
0xb0: {  	[sflag:s8] =	ssyncadd.s32 $0xFFFF6000  }
0xb1: {  	[spmem:s28], [sflag:s29] =	dma.local @!p0 [hbm:s0], $0x100  }
0xb2: {  	_ =	swait.ge @!p0 [sflag:s30], $0x100  }
0xb3: {  	[sflag:s30] =	ssyncset.done @!p0 $0x0  }
0xb4: {  	[sflag:s30] =	ssyncadd.s32 @!p0 $0xFFFFFF00  }
0xb5: {  	[bflag:$0x0] =	sbarrier.arrive $0xFFFF  }
0xb6: {  	s23 =	rddreg [dreg:$0x6]  }
0xb7: {  	[tilespmem:s26], [sflag:$0x7] =	stream.linear.gather [hbm4b:s23+s1], $0x140, $0x38;
	[tilespmem:$0x1E600] =	vst v63  }
0xb8: {  	_ =	swait.ge [sflag:s17], $0x140  }
0xb9: {  	[sflag:s17] =	ssyncset.done $0x0  }
0xba: {  	[sflag:s17] =	ssyncadd.s32 $0xFFFFFEC0  }
0xbb: {  	[tilespmem:s7], [sflag:$0x1] =	stream.indirect.gather [spmem:s2], $0x80, s26, s21, $0xb8;
	[tilespmem:$0x1E600] =	vst v63  }
0xbc: {  	s23 =	rddreg [dreg:$0x7]  }
0xbd: {  	[tilespmem:s25], [sflag:$0x7] =	stream.linear.gather [hbm4b:s23+s1], $0x140, $0x38;
	[tilespmem:$0x1E600] =	vst v63  }
0xbe: {  	_ =	swait.ge [sflag:s17], $0x140  }
0xbf: {  	[sflag:s17] =	ssyncset.done $0x0  }
0xc0: {  	[sflag:s17] =	ssyncadd.s32 $0xFFFFFEC0  }
0xc1: {  	[tilespmem:s14], [sflag:$0x2] =	stream.indirect.gather [spmem:s2], $0x80, s25, s21, $0xb8;
	[tilespmem:$0x1E600] =	vst v63  }
0xc2: {  	s23 =	rddreg [dreg:$0x8]  }
0xc3: {  	[tilespmem:s24], [sflag:$0x7] =	stream.linear.gather [hbm4b:s23+s1], $0x140, $0x38;
	[tilespmem:$0x1E600] =	vst v63  }
0xc4: {  	_ =	swait.ge [sflag:s17], $0x140  }
0xc5: {  	[sflag:s17] =	ssyncset.done $0x0  }
0xc6: {  	[sflag:s17] =	ssyncadd.s32 $0xFFFFFEC0  }
0xc7: {  	[tilespmem:s13], [sflag:$0x3] =	stream.indirect.gather [spmem:s2], $0x80, s24, s21, $0xb8;
	[tilespmem:$0x1E600] =	vst v63  }
0xc8: {  	_ =	swait.ge [sflag:s3], $0xA000  }
0xc9: {  	[sflag:s3] =	ssyncset.done $0x0  }
0xca: {  	s0 =	rddreg [dreg:$0x9];
	[sflag:s3] =	ssyncadd.s32 $0xFFFF6000  }
0xcb: {  	[hbm4b:s0+s1] =	stream.linear.scatter [tilespmem:s7], [sflag:$0x4], $0xA000, $0x38;
	[tilespmem:$0x1E600] =	vst v63  }
0xcc: {  	s23 =	rddreg [dreg:$0xa]  }
0xcd: {  	[tilespmem:s26], [sflag:$0x7] =	stream.linear.gather [hbm4b:s23+s1], $0x140, $0x38;
	[tilespmem:$0x1E600] =	vst v63  }
0xce: {  	_ =	swait.ge [sflag:s17], $0x140  }
0xcf: {  	[sflag:s17] =	ssyncset.done $0x0  }
0xd0: {  	[sflag:s17] =	ssyncadd.s32 $0xFFFFFEC0  }
0xd1: {  	_ =	swait.ge [sflag:s10], $0xA000  }
0xd2: {  	[sflag:s10] =	ssyncset.done $0x0  }
0xd3: {  	[sflag:s10] =	ssyncadd.s32 $0xFFFF6000  }
0xd4: {  	[tilespmem:s7], [sflag:$0x1] =	stream.indirect.gather [spmem:s2], $0x80, s26, s21, $0xb8;
	[tilespmem:$0x1E600] =	vst v63  }
0xd5: {  	_ =	swait.ge [sflag:s19], $0xA000  }
0xd6: {  	[sflag:s19] =	ssyncset.done $0x0  }
0xd7: {  	s0 =	rddreg [dreg:$0xb];
	[sflag:s19] =	ssyncadd.s32 $0xFFFF6000  }
0xd8: {  	[hbm4b:s0+s1] =	stream.linear.scatter [tilespmem:s14], [sflag:$0x5], $0xA000, $0x38;
	[tilespmem:$0x1E600] =	vst v63  }
0xd9: {  	s23 =	rddreg [dreg:$0xc]  }
0xda: {  	[tilespmem:s25], [sflag:$0x7] =	stream.linear.gather [hbm4b:s23+s1], $0x140, $0x38;
	[tilespmem:$0x1E600] =	vst v63  }
0xdb: {  	_ =	swait.ge [sflag:s17], $0x140  }
0xdc: {  	[sflag:s17] =	ssyncset.done $0x0  }
0xdd: {  	[sflag:s17] =	ssyncadd.s32 $0xFFFFFEC0  }
0xde: {  	_ =	swait.ge [sflag:s9], $0xA000  }
0xdf: {  	[sflag:s9] =	ssyncset.done $0x0  }
0xe0: {  	[sflag:s9] =	ssyncadd.s32 $0xFFFF6000  }
0xe1: {  	[tilespmem:s14], [sflag:$0x2] =	stream.indirect.gather [spmem:s2], $0x80, s25, s21, $0xb8;
	[tilespmem:$0x1E600] =	vst v63  }
0xe2: {  	_ =	swait.ge [sflag:s16], $0xA000  }
0xe3: {  	[sflag:s16] =	ssyncset.done $0x0  }
0xe4: {  	s0 =	rddreg [dreg:$0xd];
	[sflag:s16] =	ssyncadd.s32 $0xFFFF6000  }
0xe5: {  	[hbm4b:s0+s1] =	stream.linear.scatter [tilespmem:s13], [sflag:$0x6], $0xA000, $0x38;
	[tilespmem:$0x1E600] =	vst v63  }
0xe6: {  	s23 =	rddreg [dreg:$0xe]  }
0xe7: {  	[tilespmem:s24], [sflag:$0x7] =	stream.linear.gather [hbm4b:s23+s1], $0x140, $0x38;
	[tilespmem:$0x1E600] =	vst v63  }
0xe8: {  	_ =	swait.ge [sflag:s17], $0x140  }
0xe9: {  	[sflag:s17] =	ssyncset.done $0x0  }
0xea: {  	[sflag:s17] =	ssyncadd.s32 $0xFFFFFEC0  }
0xeb: {  	_ =	swait.ge [sflag:s8], $0xA000  }
0xec: {  	[sflag:s8] =	ssyncset.done $0x0  }
0xed: {  	[sflag:s8] =	ssyncadd.s32 $0xFFFF6000  }
0xee: {  	[tilespmem:s13], [sflag:$0x3] =	stream.indirect.gather [spmem:s2], $0x80, s24, s21, $0xb8;
	[tilespmem:$0x1E600] =	vst v63  }
0xef: {  	_ =	swait.ge [sflag:s3], $0xA000  }
0xf0: {  	[sflag:s3] =	ssyncset.done $0x0  }
0xf1: {  	s0 =	rddreg [dreg:$0xf];
	[sflag:s3] =	ssyncadd.s32 $0xFFFF6000  }
0xf2: {  	[hbm4b:s0+s1] =	stream.linear.scatter [tilespmem:s7], [sflag:$0x4], $0xA000, $0x38;
	[tilespmem:$0x1E600] =	vst v63  }
0xf3: {  	s23 =	rddreg [dreg:$0x10]  }
0xf4: {  	[tilespmem:s26], [sflag:$0x7] =	stream.linear.gather [hbm4b:s23+s1], $0x140, $0x38;
	[tilespmem:$0x1E600] =	vst v63  }
0xf5: {  	_ =	swait.ge [sflag:s17], $0x140  }
0xf6: {  	[sflag:s17] =	ssyncset.done $0x0  }
0xf7: {  	[sflag:s17] =	ssyncadd.s32 $0xFFFFFEC0  }
0xf8: {  	_ =	swait.ge [sflag:s10], $0xA000  }
0xf9: {  	[sflag:s10] =	ssyncset.done $0x0  }
0xfa: {  	[sflag:s10] =	ssyncadd.s32 $0xFFFF6000  }
0xfb: {  	[tilespmem:s7], [sflag:$0x1] =	stream.indirect.gather [spmem:s2], $0x80, s26, s21, $0xb8;
	[tilespmem:$0x1E600] =	vst v63  }
0xfc: {  	_ =	swait.ge [sflag:s19], $0xA000  }
0xfd: {  	[sflag:s19] =	ssyncset.done $0x0  }
0xfe: {  	s0 =	rddreg [dreg:$0x11];
	[sflag:s19] =	ssyncadd.s32 $0xFFFF6000  }
0xff: {  	[hbm4b:s0+s1] =	stream.linear.scatter [tilespmem:s14], [sflag:$0x5], $0xA000, $0x38;
	[tilespmem:$0x1E600] =	vst v63  }
0x100: {  	_ = 	snop  }
0x101: {  	[tilespmem:s25], [sflag:$0x7] =	stream.linear.gather [hbm4b:s20+s1], $0x140, $0x38;
	[tilespmem:$0x1E600] =	vst v63  }
0x102: {  	_ =	swait.ge [sflag:s17], $0x140  }
0x103: {  	[sflag:s17] =	ssyncset.done $0x0  }
0x104: {  	[sflag:s17] =	ssyncadd.s32 $0xFFFFFEC0  }
0x105: {  	_ =	swait.ge [sflag:s9], $0xA000  }
0x106: {  	[sflag:s9] =	ssyncset.done $0x0  }
0x107: {  	[sflag:s9] =	ssyncadd.s32 $0xFFFF6000  }
0x108: {  	[tilespmem:s14], [sflag:$0x2] =	stream.indirect.gather [spmem:s2], $0x80, s25, s21, $0xb8;
	[tilespmem:$0x1E600] =	vst v63  }
0x109: {  	_ =	swait.ge [sflag:s16], $0xA000  }
0x10a: {  	[sflag:s16] =	ssyncset.done $0x0  }
0x10b: {  	[sflag:s16] =	ssyncadd.s32 $0xFFFF6000  }
0x10c: {  	[hbm4b:s15+s1] =	stream.linear.scatter [tilespmem:s13], [sflag:$0x6], $0xA000, $0x38;
	[tilespmem:$0x1E600] =	vst v63  }
0x10d: {  	_ = 	snop  }
0x10e: {  	[tilespmem:s24], [sflag:$0x7] =	stream.linear.gather [hbm4b:s18+s1], $0x140, $0x38;
	[tilespmem:$0x1E600] =	vst v63  }
0x10f: {  	_ =	swait.ge [sflag:s17], $0x140  }
0x110: {  	[sflag:s17] =	ssyncset.done $0x0  }
0x111: {  	[sflag:s17] =	ssyncadd.s32 $0xFFFFFEC0  }
0x112: {  	_ =	swait.ge [sflag:s8], $0xA000  }
0x113: {  	[sflag:s8] =	ssyncset.done $0x0  }
0x114: {  	[sflag:s8] =	ssyncadd.s32 $0xFFFF6000  }
0x115: {  	[tilespmem:s13], [sflag:$0x3] =	stream.indirect.gather [spmem:s2], $0x80, s24, s21, $0xb8;
	[tilespmem:$0x1E600] =	vst v63  }
0x116: {  	_ =	swait.ge [sflag:s3], $0xA000  }
0x117: {  	[sflag:s3] =	ssyncset.done $0x0  }
0x118: {  	[sflag:s3] =	ssyncadd.s32 $0xFFFF6000  }
0x119: {  	[hbm4b:s11+s1] =	stream.linear.scatter [tilespmem:s7], [sflag:$0x4], $0xA000, $0x38;
	[tilespmem:$0x1E600] =	vst v63  }
0x11a: {  	_ = 	snop  }
0x11b: {  	[tilespmem:s22], [sflag:$0x7] =	stream.linear.gather [hbm4b:s12+s1], $0x100, $0x38;
	[tilespmem:$0x1E600] =	vst v63  }
0x11c: {  	_ =	swait.ge [sflag:s17], $0x100  }
0x11d: {  	[sflag:s17] =	ssyncset.done $0x0  }
0x11e: {  	[sflag:s17] =	ssyncadd.s32 $0xFFFFFF00  }
0x11f: {  	_ =	swait.ge [sflag:s10], $0xA000  }
0x120: {  	[sflag:s10] =	ssyncset.done $0x0  }
0x121: {  	s23 =	simm.s32 $0x100;
	[sflag:s10] =	ssyncadd.s32 $0xFFFF6000  }
0x122: {  	[tilespmem:s7], [sflag:$0x1] =	stream.indirect.gather [spmem:s2], $0x80, s22, s23, $0xb8;
	[tilespmem:$0x1E600] =	vst v63  }
0x123: {  	_ =	swait.ge [sflag:s19], $0xA000  }
0x124: {  	[sflag:s19] =	ssyncset.done $0x0  }
0x125: {  	[sflag:s19] =	ssyncadd.s32 $0xFFFF6000  }
0x126: {  	[hbm4b:s6+s1] =	stream.linear.scatter [tilespmem:s14], [sflag:$0x5], $0xA000, $0x38;
	[tilespmem:$0x1E600] =	vst v63  }
0x127: {  	_ =	swait.ge [sflag:s16], $0xA000  }
0x128: {  	[sflag:s16] =	ssyncset.done $0x0  }
0x129: {  	[sflag:s16] =	ssyncadd.s32 $0xFFFF6000  }
0x12a: {  	[hbm4b:s5+s1] =	stream.linear.scatter [tilespmem:s13], [sflag:$0x6], $0xA000, $0x38;
	[tilespmem:$0x1E600] =	vst v63  }
0x12b: {  	_ =	swait.ge [sflag:s3], $0x8000  }
0x12c: {  	[sflag:s3] =	ssyncset.done $0x0  }
0x12d: {  	[sflag:s3] =	ssyncadd.s32 $0xFFFF8000  }
0x12e: {  	[hbm4b:s4+s1] =	stream.linear.scatter [tilespmem:s7], [sflag:$0x4], $0x8000, $0x38;
	[tilespmem:$0x1E600] =	vst v63  }
0x12f: {  	_ =	swait.ge [sflag:s10], $0x8000  }
0x130: {  	s31 =	sadd.s32 $0xFFFFFFFF, s31;
	[sflag:s10] =	ssyncset.done $0x0  }
0x131: {  	p2 =	sne.s32 s31, $0x0;
	[sflag:s10] =	ssyncadd.s32 $0xFFFF8000  }
.Ltmp2:
0x132: {  	_ =	swait.ge [sflag:s9], $0xA000;
	(pc) =	sbr.rel @p2 .LBB2_4-.Ltmp2, $4  }
0x133: {  	[sflag:s9] =	ssyncset.done $0x0  }
0x134: {  	[sflag:s9] =	ssyncadd.s32 $0xFFFF6000  }
0x135: {  	_ =	swait.ge [sflag:s8], $0xA000  }
0x136: {  	s0 =	rddreg [dreg:$0x5];
	[sflag:s8] =	ssyncset.done $0x0  }
0x137: {  	s30 =	simm.s32 $0x100;
	s29 =	rddreg [dreg:$0x4]  }
.LBB2_6:
0x138: {  	[sflag:s8] =	ssyncadd.s32 @p1 $0xFFFF6000;
	s23 =	simm.s32 @!p0 $0x1C07  }
0x139: {  	[spmem:s28], [sflag:s23] =	dma.local @!p0 [hbm:s0], $0x100  }
0x13a: {  	s0 =	simm.s32 @!p0 $0x7  }
0x13b: {  	_ =	swait.ge @!p0 [sflag:s0], $0x100  }
0x13c: {  	[sflag:s0] =	ssyncset.done @!p0 $0x0  }
0x13d: {  	[sflag:s0] =	ssyncadd.s32 @!p0 $0xFFFFFF00  }
0x13e: {  	[bflag:$0x0] =	sbarrier.arrive $0xFFFF  }
0x13f: {  	s28 =	rddreg [dreg:$0x6]  }
0x140: {  	[tilespmem:s26], [sflag:$0x7] =	stream.linear.gather [hbm4b:s28+s1], $0x140, $0x38;
	[tilespmem:$0x1E600] =	vst v63  }
0x141: {  	_ =	swait.ge [sflag:s17], $0x140  }
0x142: {  	[sflag:s17] =	ssyncset.done $0x0  }
0x143: {  	[sflag:s17] =	ssyncadd.s32 $0xFFFFFEC0  }
0x144: {  	[tilespmem:s7], [sflag:$0x1] =	stream.indirect.gather [spmem:s2], $0x80, s26, s21, $0xb8;
	[tilespmem:$0x1E600] =	vst v63  }
0x145: {  	s31 =	rddreg [dreg:$0x7]  }
0x146: {  	[tilespmem:s25], [sflag:$0x7] =	stream.linear.gather [hbm4b:s31+s1], $0x140, $0x38;
	[tilespmem:$0x1E600] =	vst v63  }
0x147: {  	_ =	swait.ge [sflag:s17], $0x140  }
0x148: {  	[sflag:s17] =	ssyncset.done $0x0  }
0x149: {  	[sflag:s17] =	ssyncadd.s32 $0xFFFFFEC0  }
0x14a: {  	[tilespmem:s14], [sflag:$0x2] =	stream.indirect.gather [spmem:s2], $0x80, s25, s21, $0xb8;
	[tilespmem:$0x1E600] =	vst v63  }
0x14b: {  	s23 =	rddreg [dreg:$0x8]  }
0x14c: {  	[tilespmem:s24], [sflag:$0x7] =	stream.linear.gather [hbm4b:s23+s1], $0x140, $0x38;
	[tilespmem:$0x1E600] =	vst v63  }
0x14d: {  	_ =	swait.ge [sflag:s17], $0x140  }
0x14e: {  	[sflag:s17] =	ssyncset.done $0x0  }
0x14f: {  	[sflag:s17] =	ssyncadd.s32 $0xFFFFFEC0  }
0x150: {  	[tilespmem:s13], [sflag:$0x3] =	stream.indirect.gather [spmem:s2], $0x80, s24, s21, $0xb8;
	[tilespmem:$0x1E600] =	vst v63  }
0x151: {  	_ =	swait.ge [sflag:s3], $0xA000  }
0x152: {  	[sflag:s3] =	ssyncset.done $0x0  }
0x153: {  	s28 =	rddreg [dreg:$0x9];
	[sflag:s3] =	ssyncadd.s32 $0xFFFF6000  }
0x154: {  	[hbm4b:s28+s1] =	stream.linear.scatter [tilespmem:s7], [sflag:$0x4], $0xA000, $0x38;
	[tilespmem:$0x1E600] =	vst v63  }
0x155: {  	s31 =	rddreg [dreg:$0xa]  }
0x156: {  	[tilespmem:s26], [sflag:$0x7] =	stream.linear.gather [hbm4b:s31+s1], $0x140, $0x38;
	[tilespmem:$0x1E600] =	vst v63  }
0x157: {  	_ =	swait.ge [sflag:s17], $0x140  }
0x158: {  	[sflag:s17] =	ssyncset.done $0x0  }
0x159: {  	[sflag:s17] =	ssyncadd.s32 $0xFFFFFEC0  }
0x15a: {  	_ =	swait.ge [sflag:s10], $0xA000  }
0x15b: {  	[sflag:s10] =	ssyncset.done $0x0  }
0x15c: {  	[sflag:s10] =	ssyncadd.s32 $0xFFFF6000  }
0x15d: {  	[tilespmem:s7], [sflag:$0x1] =	stream.indirect.gather [spmem:s2], $0x80, s26, s21, $0xb8;
	[tilespmem:$0x1E600] =	vst v63  }
0x15e: {  	_ =	swait.ge [sflag:s19], $0xA000  }
0x15f: {  	[sflag:s19] =	ssyncset.done $0x0  }
0x160: {  	s28 =	rddreg [dreg:$0xb];
	[sflag:s19] =	ssyncadd.s32 $0xFFFF6000  }
0x161: {  	[hbm4b:s28+s1] =	stream.linear.scatter [tilespmem:s14], [sflag:$0x5], $0xA000, $0x38;
	[tilespmem:$0x1E600] =	vst v63  }
0x162: {  	s31 =	rddreg [dreg:$0xc]  }
0x163: {  	[tilespmem:s25], [sflag:$0x7] =	stream.linear.gather [hbm4b:s31+s1], $0x140, $0x38;
	[tilespmem:$0x1E600] =	vst v63  }
0x164: {  	_ =	swait.ge [sflag:s17], $0x140  }
0x165: {  	[sflag:s17] =	ssyncset.done $0x0  }
0x166: {  	[sflag:s17] =	ssyncadd.s32 $0xFFFFFEC0  }
0x167: {  	_ =	swait.ge [sflag:s9], $0xA000  }
0x168: {  	[sflag:s9] =	ssyncset.done $0x0  }
0x169: {  	[sflag:s9] =	ssyncadd.s32 $0xFFFF6000  }
0x16a: {  	[tilespmem:s14], [sflag:$0x2] =	stream.indirect.gather [spmem:s2], $0x80, s25, s21, $0xb8;
	[tilespmem:$0x1E600] =	vst v63  }
0x16b: {  	_ =	swait.ge [sflag:s16], $0xA000  }
0x16c: {  	[sflag:s16] =	ssyncset.done $0x0  }
0x16d: {  	s28 =	rddreg [dreg:$0xd];
	[sflag:s16] =	ssyncadd.s32 $0xFFFF6000  }
0x16e: {  	[hbm4b:s28+s1] =	stream.linear.scatter [tilespmem:s13], [sflag:$0x6], $0xA000, $0x38;
	[tilespmem:$0x1E600] =	vst v63  }
0x16f: {  	s31 =	rddreg [dreg:$0xe]  }
0x170: {  	[tilespmem:s24], [sflag:$0x7] =	stream.linear.gather [hbm4b:s31+s1], $0x140, $0x38;
	[tilespmem:$0x1E600] =	vst v63  }
0x171: {  	_ =	swait.ge [sflag:s17], $0x140  }
0x172: {  	[sflag:s17] =	ssyncset.done $0x0  }
0x173: {  	[sflag:s17] =	ssyncadd.s32 $0xFFFFFEC0  }
0x174: {  	_ =	swait.ge [sflag:s8], $0xA000  }
0x175: {  	[sflag:s8] =	ssyncset.done $0x0  }
0x176: {  	[sflag:s8] =	ssyncadd.s32 $0xFFFF6000  }
0x177: {  	[tilespmem:s13], [sflag:$0x3] =	stream.indirect.gather [spmem:s2], $0x80, s24, s21, $0xb8;
	[tilespmem:$0x1E600] =	vst v63  }
0x178: {  	_ =	swait.ge [sflag:s3], $0xA000  }
0x179: {  	[sflag:s3] =	ssyncset.done $0x0  }
0x17a: {  	s23 =	rddreg [dreg:$0xf];
	[sflag:s3] =	ssyncadd.s32 $0xFFFF6000  }
0x17b: {  	[hbm4b:s23+s1] =	stream.linear.scatter [tilespmem:s7], [sflag:$0x4], $0xA000, $0x38;
	[tilespmem:$0x1E600] =	vst v63  }
0x17c: {  	s28 =	rddreg [dreg:$0x10]  }
0x17d: {  	[tilespmem:s26], [sflag:$0x7] =	stream.linear.gather [hbm4b:s28+s1], $0x140, $0x38;
	[tilespmem:$0x1E600] =	vst v63  }
0x17e: {  	_ =	swait.ge [sflag:s17], $0x140  }
0x17f: {  	[sflag:s17] =	ssyncset.done $0x0  }
0x180: {  	[sflag:s17] =	ssyncadd.s32 $0xFFFFFEC0  }
0x181: {  	_ =	swait.ge [sflag:s10], $0xA000  }
0x182: {  	[sflag:s10] =	ssyncset.done $0x0  }
0x183: {  	[sflag:s10] =	ssyncadd.s32 $0xFFFF6000  }
0x184: {  	[tilespmem:s7], [sflag:$0x1] =	stream.indirect.gather [spmem:s2], $0x80, s26, s21, $0xb8;
	[tilespmem:$0x1E600] =	vst v63  }
0x185: {  	_ =	swait.ge [sflag:s19], $0xA000  }
0x186: {  	[sflag:s19] =	ssyncset.done $0x0  }
0x187: {  	s31 =	rddreg [dreg:$0x11];
	[sflag:s19] =	ssyncadd.s32 $0xFFFF6000  }
0x188: {  	[hbm4b:s31+s1] =	stream.linear.scatter [tilespmem:s14], [sflag:$0x5], $0xA000, $0x38;
	[tilespmem:$0x1E600] =	vst v63  }
0x189: {  	_ = 	snop  }
0x18a: {  	[tilespmem:s25], [sflag:$0x7] =	stream.linear.gather [hbm4b:s20+s1], $0x140, $0x38;
	[tilespmem:$0x1E600] =	vst v63  }
0x18b: {  	_ =	swait.ge [sflag:s17], $0x140  }
0x18c: {  	[sflag:s17] =	ssyncset.done $0x0  }
0x18d: {  	[sflag:s17] =	ssyncadd.s32 $0xFFFFFEC0  }
0x18e: {  	_ =	swait.ge [sflag:s9], $0xA000  }
0x18f: {  	[sflag:s9] =	ssyncset.done $0x0  }
0x190: {  	[sflag:s9] =	ssyncadd.s32 $0xFFFF6000  }
0x191: {  	[tilespmem:s14], [sflag:$0x2] =	stream.indirect.gather [spmem:s2], $0x80, s25, s21, $0xb8;
	[tilespmem:$0x1E600] =	vst v63  }
0x192: {  	_ =	swait.ge [sflag:s16], $0xA000  }
0x193: {  	[sflag:s16] =	ssyncset.done $0x0  }
0x194: {  	[sflag:s16] =	ssyncadd.s32 $0xFFFF6000  }
0x195: {  	[hbm4b:s15+s1] =	stream.linear.scatter [tilespmem:s13], [sflag:$0x6], $0xA000, $0x38;
	[tilespmem:$0x1E600] =	vst v63  }
0x196: {  	_ = 	snop  }
0x197: {  	[tilespmem:s24], [sflag:$0x7] =	stream.linear.gather [hbm4b:s18+s1], $0x140, $0x38;
	[tilespmem:$0x1E600] =	vst v63  }
0x198: {  	_ =	swait.ge [sflag:s17], $0x140  }
0x199: {  	[sflag:s17] =	ssyncset.done $0x0  }
0x19a: {  	[sflag:s17] =	ssyncadd.s32 $0xFFFFFEC0  }
0x19b: {  	_ =	swait.ge [sflag:s8], $0xA000  }
0x19c: {  	[sflag:s8] =	ssyncset.done $0x0  }
0x19d: {  	[sflag:s8] =	ssyncadd.s32 $0xFFFF6000  }
0x19e: {  	[tilespmem:s13], [sflag:$0x3] =	stream.indirect.gather [spmem:s2], $0x80, s24, s21, $0xb8;
	[tilespmem:$0x1E600] =	vst v63  }
0x19f: {  	_ =	swait.ge [sflag:s3], $0xA000  }
0x1a0: {  	[sflag:s3] =	ssyncset.done $0x0  }
0x1a1: {  	[sflag:s3] =	ssyncadd.s32 $0xFFFF6000  }
0x1a2: {  	[hbm4b:s11+s1] =	stream.linear.scatter [tilespmem:s7], [sflag:$0x4], $0xA000, $0x38;
	[tilespmem:$0x1E600] =	vst v63  }
0x1a3: {  	_ = 	snop  }
0x1a4: {  	[tilespmem:s22], [sflag:$0x7] =	stream.linear.gather [hbm4b:s12+s1], $0x100, $0x38;
	[tilespmem:$0x1E600] =	vst v63  }
0x1a5: {  	_ =	swait.ge [sflag:s17], $0x100  }
0x1a6: {  	[sflag:s17] =	ssyncset.done $0x0  }
0x1a7: {  	[sflag:s17] =	ssyncadd.s32 $0xFFFFFF00  }
0x1a8: {  	_ =	swait.ge [sflag:s10], $0xA000  }
0x1a9: {  	[sflag:s10] =	ssyncset.done $0x0  }
0x1aa: {  	[sflag:s10] =	ssyncadd.s32 $0xFFFF6000  }
0x1ab: {  	[tilespmem:s7], [sflag:$0x1] =	stream.indirect.gather [spmem:s2], $0x80, s22, s30, $0xb8;
	[tilespmem:$0x1E600] =	vst v63  }
0x1ac: {  	_ =	swait.ge [sflag:s19], $0xA000  }
0x1ad: {  	[sflag:s19] =	ssyncset.done $0x0  }
0x1ae: {  	[sflag:s19] =	ssyncadd.s32 $0xFFFF6000  }
0x1af: {  	[hbm4b:s6+s1] =	stream.linear.scatter [tilespmem:s14], [sflag:$0x5], $0xA000, $0x38;
	[tilespmem:$0x1E600] =	vst v63  }
0x1b0: {  	_ =	swait.ge [sflag:s16], $0xA000  }
0x1b1: {  	[sflag:s16] =	ssyncset.done $0x0  }
0x1b2: {  	[sflag:s16] =	ssyncadd.s32 $0xFFFF6000  }
0x1b3: {  	[hbm4b:s5+s1] =	stream.linear.scatter [tilespmem:s13], [sflag:$0x6], $0xA000, $0x38;
	[tilespmem:$0x1E600] =	vst v63  }
0x1b4: {  	_ =	swait.ge [sflag:s3], $0x8000  }
0x1b5: {  	[sflag:s3] =	ssyncset.done $0x0  }
0x1b6: {  	[sflag:s3] =	ssyncadd.s32 $0xFFFF8000  }
0x1b7: {  	[hbm4b:s4+s1] =	stream.linear.scatter [tilespmem:s7], [sflag:$0x4], $0x8000, $0x38;
	[tilespmem:$0x1E600] =	vst v63  }
0x1b8: {  	_ =	swait.ge [sflag:s10], $0x8000  }
0x1b9: {  	[sflag:s10] =	ssyncset.done $0x0  }
0x1ba: {  	[sflag:s10] =	ssyncadd.s32 $0xFFFF8000  }
0x1bb: {  	_ =	swait.ge [sflag:s9], $0xA000  }
0x1bc: {  	[sflag:s9] =	ssyncset.done $0x0  }
0x1bd: {  	[sflag:s9] =	ssyncadd.s32 $0xFFFF6000  }
0x1be: {  	_ =	swait.ge [sflag:s8], $0xA000  }
0x1bf: {  	[sflag:s8] =	ssyncset.done $0x0  }
0x1c0: {  	[sflag:s8] =	ssyncadd.s32 $0xFFFF6000  }
0x1c1: {  	_ =	sfence.sel $0x180000  }
0x1c2: {  	[bflag:$0x0] =	sbarrier.arrive $0xFFFF  }
0x1c3: {  	_ =	strace $0x90000047  }
0x1c4: {  	s0 =	sadd.s32 @!p0 $0x100000, s29;
	[bflag:$0x2] =	sbarrier.arrive $0xFFFF  }
0x1c5: {  	[sflag:s0] =	ssyncadd.tile.s32 @!p0 $0x1;
	_ =	shalt  }
.LBB2_1:
.Ltmp3:
0x1c6: {  	(pc) =	sbr.rel .LBB2_6-.Ltmp3, $2  }
0x1c7: {  	_ =	sdelay $0x2  }
0x1c8: {  	s30 =	simm.s32 $0x100  }
.LBB2_3:
.Ltmp4:
0x1c9: {  	(pc) =	sbr.rel .LBB2_6-.Ltmp4, $2  }
0x1ca: {  	_ =	sdelay $0x2  }
0x1cb: {  	s30 =	simm.s32 $0x100;
	s29 =	rddreg [dreg:$0x4]  }
.Lfunc_end2:
_tile_overlayer_lowered:
.L_overlay_start_2:
0x1cc: {  	(tag) =	ssettag $0x2  }
0x1cd: {  	s0 =	rddreg [dreg:$0x0];
	s2 =	stileid.u32  }
0x1ce: {  	s1 =	rddreg [dreg:$0x1];
	p0 =	sne.s32 s2, $0x0  }
0x1cf: {  	s3 =	rddreg [dreg:$0x2];
	[bflag:$0x3] =	sbarrier.arrive $0xFFFF;
	s2 =	simm.s32 @!p0 $0x1C07  }
0x1d0: {  	[timem:s3], [sflag:s2] =	dma.local @!p0 [hbm:s0], s1  }
0x1d1: {  	s0 =	simm.s32 @!p0 $0x7  }
0x1d2: {  	_ =	swait.ge @!p0 [sflag:s0], s1  }
0x1d3: {  	s1 =	ssub.s32 @!p0 $0x0, s1;
	[sflag:s0] =	ssyncset.done @!p0 $0x0  }
0x1d4: {  	[sflag:s0] =	ssyncadd.s32 @!p0 s1  }
0x1d5: {  	[bflag:$0x3] =	sbarrier.arrive $0xFFFF  }
0x1d6: {  	_ =	shalt  }

</sc_bundles>
